<compile_context>
chip_gen: v7x
topology: tpu7x:2x2x1
jax: 0.10.2.dev20260603
libtpu: 0.0.44.dev20260713+nightly
codegen_flags: <defaults>
</compile_context>

<pallas_src>
import functools

import jax
import jax.numpy as jnp
from jax import lax
from jax.experimental import pallas as pl
from jax.experimental.pallas import tpu as pltpu
from jax.experimental.pallas import tpu_sc as plsc

B = 1024
NC, NS = 2, 16
NW = NC * NS
CHUNK_PX = 8192
NBUF = 4


def _hist_kernel(C, Pn):
    hsize = C * 2 * B
    px_per_w = Pn // NW
    chunks_per_c = px_per_w // CHUNK_PX
    nsteps = C * chunks_per_c
    bf = jnp.float32(B)

    mesh = plsc.VectorSubcoreMesh(
        core_axis_name="c", subcore_axis_name="s", num_cores=NC, num_subcores=NS
    )

    @functools.partial(
        pl.kernel,
        mesh=mesh,
        compiler_params=pltpu.CompilerParams(needs_layout_passes=False),
        out_type=jax.ShapeDtypeStruct((NW, hsize), jnp.float32),
        scratch_types=(
            [pltpu.VMEM((1, CHUNK_PX), jnp.float32) for _ in range(NBUF)]
            + [pltpu.VMEM((1, CHUNK_PX), jnp.int32) for _ in range(NBUF)]
            + [pltpu.VMEM((hsize,), jnp.float32)]
            + [pltpu.SemaphoreType.DMA for _ in range(2 * NBUF)]
        ),
    )
    def body(probas_hbm, labels_hbm, out_hbm, *refs):
        pbufs = refs[0:NBUF]
        lbufs = refs[NBUF:2 * NBUF]
        hist = refs[2 * NBUF]
        psems = refs[2 * NBUF + 1:2 * NBUF + 1 + NBUF]
        lsems = refs[2 * NBUF + 1 + NBUF:2 * NBUF + 1 + 2 * NBUF]

        wid = lax.axis_index("s") * NC + lax.axis_index("c")
        base = wid * px_per_w

        zeros16 = jnp.zeros((16,), jnp.float32)

        @plsc.parallel_loop(0, hsize // 16)
        def _(i):
            hist[pl.ds(i * 16, 16)] = zeros16

        def offset(step):
            c = step // chunks_per_c
            ch = step - c * chunks_per_c
            return base + ch * CHUNK_PX, c

        def start(step, slot):
            px0, c = offset(step)
            pltpu.async_copy(probas_hbm.at[pl.ds(c, 1), pl.ds(px0, CHUNK_PX)],
                             pbufs[slot], psems[slot])
            pltpu.async_copy(labels_hbm.at[pl.ds(c, 1), pl.ds(px0, CHUNK_PX)],
                             lbufs[slot], lsems[slot])

        def wait(slot):
            pltpu.make_async_copy(probas_hbm.at[pl.ds(0, 1), pl.ds(0, CHUNK_PX)],
                                  pbufs[slot], psems[slot]).wait()
            pltpu.make_async_copy(labels_hbm.at[pl.ds(0, 1), pl.ds(0, CHUNK_PX)],
                                  lbufs[slot], lsems[slot]).wait()

        ones = jnp.full((16,), 1.0, jnp.float32)

        def compute(step, slot):
            _, c = offset(step)
            hview = hist.at[pl.ds(c * (2 * B), 2 * B)]
            pb = pbufs[slot]
            lb = lbufs[slot]

            @plsc.parallel_loop(0, CHUNK_PX // 16, unroll=16)
            def _(i):
                o = i * 16
                vp = pb[0, pl.ds(o, 16)]
                vl = lb[0, pl.ds(o, 16)]
                fg = vl.astype(jnp.float32)
                e = jnp.abs(fg - vp)
                u = jnp.minimum((e + fg) * bf, 2.0 * B - 1.0)
                plsc.addupdate_scatter(hview, [u.astype(jnp.int32)], ones)

        for k in range(NBUF - 1):
            start(k, k)

        def ring(j, carry):
            s0 = NBUF * j
            for k in range(NBUF):

                @pl.when(s0 + k + NBUF - 1 < nsteps)
                def _():
                    start(s0 + k + NBUF - 1, (k + NBUF - 1) % NBUF)

                wait(k)
                compute(s0 + k, k)
            return carry

        lax.fori_loop(0, nsteps // NBUF, ring, 0)

        pltpu.sync_copy(hist, out_hbm.at[wid])

    return body


def _sweep_kernel(C):
    def body(h_ref, o_ref):
        Hs = jnp.sum(h_ref[...], axis=0, keepdims=True)
        m_rows = []
        p_rows = []
        for cc in range(C):
            lo = Hs[:, cc * 2 * B:cc * 2 * B + B]
            hi = Hs[:, cc * 2 * B + B:(cc + 1) * 2 * B]
            m_rows.append(lo + hi)
            p_rows.append(hi)
        m = jnp.concatenate(m_rows, axis=0)
        p = jnp.concatenate(p_rows, axis=0)
        r = lax.broadcasted_iota(jnp.int32, (B, B), 0)
        c = lax.broadcasted_iota(jnp.int32, (B, B), 1)
        tri = (r <= c).astype(jnp.float32)
        Sm = jnp.dot(m, tri, preferred_element_type=jnp.float32)
        Sp = jnp.dot(p, tri, preferred_element_type=jnp.float32)
        Mtot = Sm[:, B - 1:B]
        G = Sp[:, B - 1:B]
        Ns = Mtot - Sm
        Ne = Ns + m
        Ks = G - Sp
        Ke = Ks + p
        Js = 1.0 - (G - Ks) / jnp.maximum(G + Ns - Ks, 1.0)
        Je = 1.0 - (G - Ke) / jnp.maximum(G + Ne - Ke, 1.0)
        emid = (lax.broadcasted_iota(jnp.int32, (C, B), 1).astype(jnp.float32)
                + 0.5) * (1.0 / B)
        losses = jnp.sum(emid * (Je - Js), axis=1, keepdims=True)
        pres = (G > 0).astype(jnp.float32)
        num = jnp.sum(losses * pres)
        den = jnp.maximum(jnp.sum(pres), 1.0)
        o_ref[...] = (num / den)[None, None]

    return body


def kernel(probas, labels):
    Pn, C = probas.shape

    pf = probas.T
    lf = labels.T

    hist = _hist_kernel(C, Pn)(pf, lf)

    out = pl.pallas_call(
        _sweep_kernel(C),
        out_shape=jax.ShapeDtypeStruct((1, 1), jnp.float32),
    )(hist)
    return out[0, 0]

# --- scband reference (transcript-rebuilt; emitter-appended) ---
"""Pipeline reference for scband-lovasz-soft-7413113553681 (READ-ONLY COPY).

The authoritative reference and input builder live on the scoring server;
editing this copy changes nothing except your own understanding.
"""

import jax, jax.numpy as jnp
import numpy as np

P = 1048576
C = 19


def setup_inputs(seed: int = 0) -> dict:
    key = jax.random.key(seed)
    k1, k2 = jax.random.split(key)
    probas = jax.random.uniform(k1, (P, C), dtype=jnp.float32)
    labels = jax.random.randint(k2, (P, C), 0, 2).astype(jnp.int32)
    return {"probas": probas, "labels": labels}


def lovasz_grad(gt_sorted):
    # Gradient of the Lovasz extension w.r.t. sorted errors (Alg. 1)
    gts = gt_sorted.sum()
    intersection = gts - jnp.cumsum(gt_sorted, axis=0)
    union = gts + jnp.cumsum(1.0 - gt_sorted, axis=0)
    jaccard = 1.0 - intersection / union
    # jaccard[1:] = jaccard[1:] - jaccard[:-1]
    jaccard = jnp.concatenate([jaccard[:1], jaccard[1:] - jaccard[:-1]], axis=0)
    return jaccard


def reference(probas, labels):
    # lovasz_softmax_flat with classes='present', per_image=False, ignore=None.
    # In the torch module, fg for class c is exactly the multi-hot column labels[:, c]
    # (np.where(labels == 1) recovers (pixel, class) pairs, then fg[ind] = 1 for class c).
    labf = labels.astype(jnp.float32)
    num_classes = probas.shape[1]
    losses = []
    presents = []
    for c in range(num_classes):
        fg = labf[:, c]
        class_pred = probas[:, c]
        errors = jnp.abs(fg - class_pred)
        perm = jnp.argsort(-errors)  # descending sort permutation
        errors_sorted = errors[perm]
        fg_sorted = fg[perm]
        grad = lovasz_grad(fg_sorted)
        losses.append(jnp.dot(errors_sorted, grad))
        # classes='present': skip class if fg.sum() == 0
        presents.append((fg.sum() > 0).astype(jnp.float32))
    losses = jnp.stack(losses)
    presents = jnp.stack(presents)
    denom = jnp.maximum(presents.sum(), 1.0)  # mean over present classes; empty -> 0
    return (losses * presents).sum() / denom

if __name__ == "__main__":
    import jax
    _d = setup_inputs()
    print(jax.jit(kernel)(*tuple(_d.values())))

</pallas_src>

<mosaic_0001>
#map = affine_map<(d0, d1) -> (0, 0)>
#map1 = affine_map<(d0, d1) -> (0)>
module attributes {stable_mosaic.version = 14 : i64} {
  func.func @_rewritten_body(%arg0: i32, %arg1: i32, %arg2: memref<19x1048576xf32, #tpu.memory_space<hbm>>, %arg3: memref<19x1048576xi32, #tpu.memory_space<hbm>>, %arg4: memref<1xf32, #tpu.memory_space<hbm>>, %arg5: memref<32x38912xf32, #tpu.memory_space<hbm>>, %arg6: memref<1x8192xf32, #tpu.memory_space<vmem>>, %arg7: memref<1x8192xf32, #tpu.memory_space<vmem>>, %arg8: memref<1x8192xf32, #tpu.memory_space<vmem>>, %arg9: memref<1x8192xf32, #tpu.memory_space<vmem>>, %arg10: memref<1x8192xi32, #tpu.memory_space<vmem>>, %arg11: memref<1x8192xi32, #tpu.memory_space<vmem>>, %arg12: memref<1x8192xi32, #tpu.memory_space<vmem>>, %arg13: memref<1x8192xi32, #tpu.memory_space<vmem>>, %arg14: memref<38912xf32, #tpu.memory_space<vmem>>, %arg15: memref<!tpu.dma_semaphore, #tpu.memory_space<semaphore_mem>>, %arg16: memref<!tpu.dma_semaphore, #tpu.memory_space<semaphore_mem>>, %arg17: memref<!tpu.dma_semaphore, #tpu.memory_space<semaphore_mem>>, %arg18: memref<!tpu.dma_semaphore, #tpu.memory_space<semaphore_mem>>, %arg19: memref<!tpu.dma_semaphore, #tpu.memory_space<semaphore_mem>>, %arg20: memref<!tpu.dma_semaphore, #tpu.memory_space<semaphore_mem>>, %arg21: memref<!tpu.dma_semaphore, #tpu.memory_space<semaphore_mem>>, %arg22: memref<!tpu.dma_semaphore, #tpu.memory_space<semaphore_mem>>) attributes {dimension_semantics = [#tpu.dimension_semantics<core_parallel>, #tpu.dimension_semantics<subcore_parallel>], iteration_bounds = array<i64: 2, 16>, scalar_prefetch = 0 : i64, scratch_operands = 17 : i64, tpu.core_type = #tpu.core_type<sc_vector_subcore>, window_params = [{transform_indices = #map}, {transform_indices = #map}, {transform_indices = #map1}, {transform_indices = #map}]} {
    %empty_ref3A = memref.alloca() : memref<16xf32, #tpu.memory_space<vmem>>
    "tpu.region"() ({
      %run_scoped3A = tpu.sem_alloc : memref<!tpu.dma_semaphore, #tpu.memory_space<semaphore_mem>>
      %dma_start3A_43 = arith.constant 0 : i32
      %dma_start3A_44 = tpu.memref_slice %empty_ref3A[%dma_start3A_43] : memref<16xf32, #tpu.memory_space<vmem>> -> memref<1xf32, #tpu.memory_space<vmem>>
      %dma_start3A_45 = arith.constant 0 : i32
      %dma_start3A_46 = tpu.memref_slice %empty_ref3A[%dma_start3A_45] : memref<16xf32, #tpu.memory_space<vmem>> -> memref<1xf32, #tpu.memory_space<vmem>>
      tpu.enqueue_dma source(%arg4 : memref<1xf32, #tpu.memory_space<hbm>>) target(%dma_start3A_46 : memref<1xf32, #tpu.memory_space<vmem>>) target_semaphore(%run_scoped3A : memref<!tpu.dma_semaphore, #tpu.memory_space<semaphore_mem>>)
      %dma_wait3A = arith.constant 0 : i32
      %dma_wait3A_47 = tpu.memref_slice %empty_ref3A[%dma_wait3A] : memref<16xf32, #tpu.memory_space<vmem>> -> memref<1xf32, #tpu.memory_space<vmem>>
      %dma_wait3A_48 = arith.constant 0 : i32
      %dma_wait3A_49 = tpu.memref_slice %empty_ref3A[%dma_wait3A_48] : memref<16xf32, #tpu.memory_space<vmem>> -> memref<1xf32, #tpu.memory_space<vmem>>
      tpu.wait_dma2 semaphore(%run_scoped3A : memref<!tpu.dma_semaphore, #tpu.memory_space<semaphore_mem>>) src(%arg4 : memref<1xf32, #tpu.memory_space<hbm>>) dst(%dma_wait3A_49 : memref<1xf32, #tpu.memory_space<vmem>>)
      tpu.yield
    }) : () -> ()
    %get3A = arith.constant 0 : index
    %get3A_0 = tpu.vector_load %empty_ref3A[%get3A] {strides = array<i32>} : memref<16xf32, #tpu.memory_space<vmem>>, vector<16xf32>,
    %slice3A = vector.extract_strided_slice %get3A_0 {offsets = [0], sizes = [1], strides = [1]} : vector<16xf32> to vector<1xf32>
    %squeeze3A = vector.extract %slice3A[0] : f32 from vector<1xf32>
    %mul3A = arith.constant 2 : i32
    %mul3A_1 = arith.muli %arg1, %mul3A : i32
    %add3A = arith.addi %mul3A_1, %arg0 : i32
    %mul3A_2 = arith.constant 32768 : i32
    %mul3A_3 = arith.muli %add3A, %mul3A_2 : i32
    %broadcast_in_dim3A = arith.constant 0.000000e+00 : f32
    %broadcast_in_dim3A_4 = vector.broadcast %broadcast_in_dim3A : f32 to vector<16xf32>
    %parallel_loop3A = arith.constant 0 : i32
    %parallel_loop3A_5 = arith.constant 2432 : i32
    %parallel_loop3A_6 = arith.constant 1 : i32
    scf.for %parallel_loop3A_43 = %parallel_loop3A to %parallel_loop3A_5 step %parallel_loop3A_6  : i32 {
      %parallel_loop3A_44 = arith.constant 16 : i32
      %parallel_loop3A_45 = arith.muli %parallel_loop3A_43, %parallel_loop3A_44 : i32
      %parallel_loop3A_46 = arith.index_cast %parallel_loop3A_45 : i32 to index
      %parallel_loop3A_47 = tpu.vector_load %arg14[%parallel_loop3A_46] {strides = array<i32>} : memref<38912xf32, #tpu.memory_space<vmem>>, vector<16xf32>,
      tpu.vector_store %arg14[%parallel_loop3A_46], %broadcast_in_dim3A_4 {strides = array<i32>} : memref<38912xf32, #tpu.memory_space<vmem>>, vector<16xf32>,
    } {sc.loop_unroll_factor = 1 : i64, sc.parallel_access}
    %broadcast_in_dim3A_7 = arith.constant 1.000000e+00 : f32
    %broadcast_in_dim3A_8 = vector.broadcast %broadcast_in_dim3A_7 : f32 to vector<16xf32>
    %add3A_9 = arith.constant 0 : i32
    %add3A_10 = arith.addi %mul3A_3, %add3A_9 : i32
    %dma_start3A = arith.constant 0 : i32
    %dma_start3A_11 = tpu.memref_slice %arg2[%dma_start3A, %add3A_10] : memref<19x1048576xf32, #tpu.memory_space<hbm>> -> memref<1x8192xf32, #tpu.memory_space<hbm>>
    %dma_start3A_12 = arith.constant 0 : i32
    %dma_start3A_13 = tpu.memref_slice %arg2[%dma_start3A_12, %add3A_10] : memref<19x1048576xf32, #tpu.memory_space<hbm>> -> memref<1x8192xf32, #tpu.memory_space<hbm>>
    tpu.enqueue_dma source(%dma_start3A_13 : memref<1x8192xf32, #tpu.memory_space<hbm>>) target(%arg6 : memref<1x8192xf32, #tpu.memory_space<vmem>>) target_semaphore(%arg15 : memref<!tpu.dma_semaphore, #tpu.memory_space<semaphore_mem>>)
    %dma_start3A_14 = arith.constant 0 : i32
    %dma_start3A_15 = tpu.memref_slice %arg3[%dma_start3A_14, %add3A_10] : memref<19x1048576xi32, #tpu.memory_space<hbm>> -> memref<1x8192xi32, #tpu.memory_space<hbm>>
    %dma_start3A_16 = arith.constant 0 : i32
    %dma_start3A_17 = tpu.memref_slice %arg3[%dma_start3A_16, %add3A_10] : memref<19x1048576xi32, #tpu.memory_space<hbm>> -> memref<1x8192xi32, #tpu.memory_space<hbm>>
    tpu.enqueue_dma source(%dma_start3A_17 : memref<1x8192xi32, #tpu.memory_space<hbm>>) target(%arg10 : memref<1x8192xi32, #tpu.memory_space<vmem>>) target_semaphore(%arg19 : memref<!tpu.dma_semaphore, #tpu.memory_space<semaphore_mem>>)
    %add3A_18 = arith.constant 8192 : i32
    %add3A_19 = arith.addi %mul3A_3, %add3A_18 : i32
    %dma_start3A_20 = arith.constant 0 : i32
    %dma_start3A_21 = tpu.memref_slice %arg2[%dma_start3A_20, %add3A_19] : memref<19x1048576xf32, #tpu.memory_space<hbm>> -> memref<1x8192xf32, #tpu.memory_space<hbm>>
    %dma_start3A_22 = arith.constant 0 : i32
    %dma_start3A_23 = tpu.memref_slice %arg2[%dma_start3A_22, %add3A_19] : memref<19x1048576xf32, #tpu.memory_space<hbm>> -> memref<1x8192xf32, #tpu.memory_space<hbm>>
    tpu.enqueue_dma source(%dma_start3A_23 : memref<1x8192xf32, #tpu.memory_space<hbm>>) target(%arg7 : memref<1x8192xf32, #tpu.memory_space<vmem>>) target_semaphore(%arg16 : memref<!tpu.dma_semaphore, #tpu.memory_space<semaphore_mem>>)
    %dma_start3A_24 = arith.constant 0 : i32
    %dma_start3A_25 = tpu.memref_slice %arg3[%dma_start3A_24, %add3A_19] : memref<19x1048576xi32, #tpu.memory_space<hbm>> -> memref<1x8192xi32, #tpu.memory_space<hbm>>
    %dma_start3A_26 = arith.constant 0 : i32
    %dma_start3A_27 = tpu.memref_slice %arg3[%dma_start3A_26, %add3A_19] : memref<19x1048576xi32, #tpu.memory_space<hbm>> -> memref<1x8192xi32, #tpu.memory_space<hbm>>
    tpu.enqueue_dma source(%dma_start3A_27 : memref<1x8192xi32, #tpu.memory_space<hbm>>) target(%arg11 : memref<1x8192xi32, #tpu.memory_space<vmem>>) target_semaphore(%arg20 : memref<!tpu.dma_semaphore, #tpu.memory_space<semaphore_mem>>)
    %add3A_28 = arith.constant 16384 : i32
    %add3A_29 = arith.addi %mul3A_3, %add3A_28 : i32
    %dma_start3A_30 = arith.constant 0 : i32
    %dma_start3A_31 = tpu.memref_slice %arg2[%dma_start3A_30, %add3A_29] : memref<19x1048576xf32, #tpu.memory_space<hbm>> -> memref<1x8192xf32, #tpu.memory_space<hbm>>
    %dma_start3A_32 = arith.constant 0 : i32
    %dma_start3A_33 = tpu.memref_slice %arg2[%dma_start3A_32, %add3A_29] : memref<19x1048576xf32, #tpu.memory_space<hbm>> -> memref<1x8192xf32, #tpu.memory_space<hbm>>
    tpu.enqueue_dma source(%dma_start3A_33 : memref<1x8192xf32, #tpu.memory_space<hbm>>) target(%arg8 : memref<1x8192xf32, #tpu.memory_space<vmem>>) target_semaphore(%arg17 : memref<!tpu.dma_semaphore, #tpu.memory_space<semaphore_mem>>)
    %dma_start3A_34 = arith.constant 0 : i32
    %dma_start3A_35 = tpu.memref_slice %arg3[%dma_start3A_34, %add3A_29] : memref<19x1048576xi32, #tpu.memory_space<hbm>> -> memref<1x8192xi32, #tpu.memory_space<hbm>>
    %dma_start3A_36 = arith.constant 0 : i32
    %dma_start3A_37 = tpu.memref_slice %arg3[%dma_start3A_36, %add3A_29] : memref<19x1048576xi32, #tpu.memory_space<hbm>> -> memref<1x8192xi32, #tpu.memory_space<hbm>>
    tpu.enqueue_dma source(%dma_start3A_37 : memref<1x8192xi32, #tpu.memory_space<hbm>>) target(%arg12 : memref<1x8192xi32, #tpu.memory_space<vmem>>) target_semaphore(%arg21 : memref<!tpu.dma_semaphore, #tpu.memory_space<semaphore_mem>>)
    %scan3A = arith.constant 0 : i32
    %scan3A_38 = arith.constant 0 : i32
    %scan3A_39 = arith.constant 19 : i32
    %scan3A_40 = arith.addi %scan3A_38, %scan3A_39 : i32
    %scan3A_41 = arith.constant 1 : i32
    scf.for %scan3A_43 = %scan3A_38 to %scan3A_40 step %scan3A_41  : i32 {
      %mul3A_44 = arith.constant 4 : i32
      %mul3A_45 = arith.muli %mul3A_44, %scan3A_43 : i32
      %add3A_46 = arith.constant 0 : i32
      %add3A_47 = arith.addi %mul3A_45, %add3A_46 : i32
      %add3A_48 = arith.constant 4 : i32
      %add3A_49 = arith.addi %add3A_47, %add3A_48 : i32
      %sub3A = arith.constant 1 : i32
      %sub3A_50 = arith.subi %add3A_49, %sub3A : i32
      %lt3A = arith.constant 76 : i32
      %lt3A_51 = arith.cmpi slt, %sub3A_50, %lt3A : i32
      %convert_element_type3A = arith.extui %lt3A_51 : i1 to i32
      %cond3A = arith.constant 0 : i32
      %cond3A_52 = arith.cmpi ne, %convert_element_type3A, %cond3A : i32
      scf.if %cond3A_52 {
        %add3A_274 = arith.constant 0 : i32
        %add3A_275 = arith.addi %mul3A_45, %add3A_274 : i32
        %add3A_276 = arith.constant 4 : i32
        %add3A_277 = arith.addi %add3A_275, %add3A_276 : i32
        %sub3A_278 = arith.constant 1 : i32
        %sub3A_279 = arith.subi %add3A_277, %sub3A_278 : i32
        %jit3A_280 = arith.constant 4 : i32
        %div3A_281 = arith.divsi %sub3A_279, %jit3A_280 : i32
        %sign3A_282 = arith.constant 0 : i32
        %sign3A_283 = arith.cmpi sgt, %sub3A_279, %sign3A_282 : i32
        %sign3A_284 = arith.extui %sign3A_283 : i1 to i32
        %sign3A_285 = arith.constant 0 : i32
        %sign3A_286 = arith.cmpi slt, %sub3A_279, %sign3A_285 : i32
        %sign3A_287 = arith.extui %sign3A_286 : i1 to i32
        %sign3A_288 = arith.subi %sign3A_284, %sign3A_287 : i32
        %sign3A_289 = arith.constant 0 : i32
        %sign3A_290 = arith.cmpi sgt, %jit3A_280, %sign3A_289 : i32
        %sign3A_291 = arith.extui %sign3A_290 : i1 to i32
        %sign3A_292 = arith.constant 0 : i32
        %sign3A_293 = arith.cmpi slt, %jit3A_280, %sign3A_292 : i32
        %sign3A_294 = arith.extui %sign3A_293 : i1 to i32
        %sign3A_295 = arith.subi %sign3A_291, %sign3A_294 : i32
        %ne3A_296 = arith.cmpi ne, %sign3A_288, %sign3A_295 : i32
        %rem3A_297 = arith.remsi %sub3A_279, %jit3A_280 : i32
        %ne3A_298 = arith.constant 0 : i32
        %ne3A_299 = arith.cmpi ne, %rem3A_297, %ne3A_298 : i32
        %and3A_300 = arith.andi %ne3A_296, %ne3A_299 : i1
        %sub3A_301 = arith.constant 1 : i32
        %sub3A_302 = arith.subi %div3A_281, %sub3A_301 : i32
        %select_n3A_303 = arith.select %and3A_300, %sub3A_302, %div3A_281 : i32
        %mul3A_304 = arith.constant 4 : i32
        %mul3A_305 = arith.muli %select_n3A_303, %mul3A_304 : i32
        %sub3A_306 = arith.subi %sub3A_279, %mul3A_305 : i32
        %mul3A_307 = arith.constant 8192 : i32
        %mul3A_308 = arith.muli %sub3A_306, %mul3A_307 : i32
        %add3A_309 = arith.addi %mul3A_3, %mul3A_308 : i32
        %dma_start3A_310 = tpu.memref_slice %arg2[%select_n3A_303, %add3A_309] : memref<19x1048576xf32, #tpu.memory_space<hbm>> -> memref<1x8192xf32, #tpu.memory_space<hbm>>
        %dma_start3A_311 = tpu.memref_slice %arg2[%select_n3A_303, %add3A_309] : memref<19x1048576xf32, #tpu.memory_space<hbm>> -> memref<1x8192xf32, #tpu.memory_space<hbm>>
        tpu.enqueue_dma source(%dma_start3A_311 : memref<1x8192xf32, #tpu.memory_space<hbm>>) target(%arg9 : memref<1x8192xf32, #tpu.memory_space<vmem>>) target_semaphore(%arg18 : memref<!tpu.dma_semaphore, #tpu.memory_space<semaphore_mem>>)
        %dma_start3A_312 = tpu.memref_slice %arg3[%select_n3A_303, %add3A_309] : memref<19x1048576xi32, #tpu.memory_space<hbm>> -> memref<1x8192xi32, #tpu.memory_space<hbm>>
        %dma_start3A_313 = tpu.memref_slice %arg3[%select_n3A_303, %add3A_309] : memref<19x1048576xi32, #tpu.memory_space<hbm>> -> memref<1x8192xi32, #tpu.memory_space<hbm>>
        tpu.enqueue_dma source(%dma_start3A_313 : memref<1x8192xi32, #tpu.memory_space<hbm>>) target(%arg13 : memref<1x8192xi32, #tpu.memory_space<vmem>>) target_semaphore(%arg22 : memref<!tpu.dma_semaphore, #tpu.memory_space<semaphore_mem>>)
      } else {
      }
      %dma_wait3A = arith.constant 0 : i32
      %dma_wait3A_53 = arith.constant 0 : i32
      %dma_wait3A_54 = tpu.memref_slice %arg2[%dma_wait3A, %dma_wait3A_53] : memref<19x1048576xf32, #tpu.memory_space<hbm>> -> memref<1x8192xf32, #tpu.memory_space<hbm>>
      %dma_wait3A_55 = arith.constant 0 : i32
      %dma_wait3A_56 = arith.constant 0 : i32
      %dma_wait3A_57 = tpu.memref_slice %arg2[%dma_wait3A_55, %dma_wait3A_56] : memref<19x1048576xf32, #tpu.memory_space<hbm>> -> memref<1x8192xf32, #tpu.memory_space<hbm>>
      tpu.wait_dma2 semaphore(%arg15 : memref<!tpu.dma_semaphore, #tpu.memory_space<semaphore_mem>>) src(%dma_wait3A_57 : memref<1x8192xf32, #tpu.memory_space<hbm>>) dst(%arg6 : memref<1x8192xf32, #tpu.memory_space<vmem>>)
      %dma_wait3A_58 = arith.constant 0 : i32
      %dma_wait3A_59 = arith.constant 0 : i32
      %dma_wait3A_60 = tpu.memref_slice %arg3[%dma_wait3A_58, %dma_wait3A_59] : memref<19x1048576xi32, #tpu.memory_space<hbm>> -> memref<1x8192xi32, #tpu.memory_space<hbm>>
      %dma_wait3A_61 = arith.constant 0 : i32
      %dma_wait3A_62 = arith.constant 0 : i32
      %dma_wait3A_63 = tpu.memref_slice %arg3[%dma_wait3A_61, %dma_wait3A_62] : memref<19x1048576xi32, #tpu.memory_space<hbm>> -> memref<1x8192xi32, #tpu.memory_space<hbm>>
      tpu.wait_dma2 semaphore(%arg19 : memref<!tpu.dma_semaphore, #tpu.memory_space<semaphore_mem>>) src(%dma_wait3A_63 : memref<1x8192xi32, #tpu.memory_space<hbm>>) dst(%arg10 : memref<1x8192xi32, #tpu.memory_space<vmem>>)
      %add3A_64 = arith.constant 0 : i32
      %add3A_65 = arith.addi %mul3A_45, %add3A_64 : i32
      %jit3A = arith.constant 4 : i32
      %div3A = arith.divsi %add3A_65, %jit3A : i32
      %sign3A = arith.constant 0 : i32
      %sign3A_66 = arith.cmpi sgt, %add3A_65, %sign3A : i32
      %sign3A_67 = arith.extui %sign3A_66 : i1 to i32
      %sign3A_68 = arith.constant 0 : i32
      %sign3A_69 = arith.cmpi slt, %add3A_65, %sign3A_68 : i32
      %sign3A_70 = arith.extui %sign3A_69 : i1 to i32
      %sign3A_71 = arith.subi %sign3A_67, %sign3A_70 : i32
      %sign3A_72 = arith.constant 0 : i32
      %sign3A_73 = arith.cmpi sgt, %jit3A, %sign3A_72 : i32
      %sign3A_74 = arith.extui %sign3A_73 : i1 to i32
      %sign3A_75 = arith.constant 0 : i32
      %sign3A_76 = arith.cmpi slt, %jit3A, %sign3A_75 : i32
      %sign3A_77 = arith.extui %sign3A_76 : i1 to i32
      %sign3A_78 = arith.subi %sign3A_74, %sign3A_77 : i32
      %ne3A = arith.cmpi ne, %sign3A_71, %sign3A_78 : i32
      %rem3A = arith.remsi %add3A_65, %jit3A : i32
      %ne3A_79 = arith.constant 0 : i32
      %ne3A_80 = arith.cmpi ne, %rem3A, %ne3A_79 : i32
      %and3A = arith.andi %ne3A, %ne3A_80 : i1
      %sub3A_81 = arith.constant 1 : i32
      %sub3A_82 = arith.subi %div3A, %sub3A_81 : i32
      %select_n3A = arith.select %and3A, %sub3A_82, %div3A : i32
      %mul3A_83 = arith.constant 4 : i32
      %mul3A_84 = arith.muli %select_n3A, %mul3A_83 : i32
      %sub3A_85 = arith.subi %add3A_65, %mul3A_84 : i32
      %mul3A_86 = arith.constant 8192 : i32
      %mul3A_87 = arith.muli %sub3A_85, %mul3A_86 : i32
      %add3A_88 = arith.addi %mul3A_3, %mul3A_87 : i32
      %mul3A_89 = arith.constant 2048 : i32
      %mul3A_90 = arith.muli %select_n3A, %mul3A_89 : i32
      %parallel_loop3A_91 = arith.constant 0 : i32
      %parallel_loop3A_92 = arith.constant 512 : i32
      %parallel_loop3A_93 = arith.constant 1 : i32
      scf.for %parallel_loop3A_274 = %parallel_loop3A_91 to %parallel_loop3A_92 step %parallel_loop3A_93  : i32 {
        %parallel_loop3A_275 = arith.constant 16 : i32
        %parallel_loop3A_276 = arith.muli %parallel_loop3A_274, %parallel_loop3A_275 : i32
        %parallel_loop3A_277 = arith.constant 0 : i32
        %parallel_loop3A_278 = arith.index_cast %parallel_loop3A_277 : i32 to index
        %parallel_loop3A_279 = arith.index_cast %parallel_loop3A_276 : i32 to index
        %parallel_loop3A_280 = tpu.vector_load %arg6[%parallel_loop3A_278, %parallel_loop3A_279] {strides = array<i32>} : memref<1x8192xf32, #tpu.memory_space<vmem>>, vector<16xf32>,
        %parallel_loop3A_281 = arith.constant 0 : i32
        %parallel_loop3A_282 = arith.index_cast %parallel_loop3A_281 : i32 to index
        %parallel_loop3A_283 = arith.index_cast %parallel_loop3A_276 : i32 to index
        %parallel_loop3A_284 = tpu.vector_load %arg10[%parallel_loop3A_282, %parallel_loop3A_283] {strides = array<i32>} : memref<1x8192xi32, #tpu.memory_space<vmem>>, vector<16xi32>,
        %parallel_loop3A_285 = arith.sitofp %parallel_loop3A_284 : vector<16xi32> to vector<16xf32>
        %parallel_loop3A_286 = arith.subf %parallel_loop3A_285, %parallel_loop3A_280 : vector<16xf32>
        %parallel_loop3A_287 = math.absf %parallel_loop3A_286 : vector<16xf32>
        %parallel_loop3A_288 = arith.addf %parallel_loop3A_287, %parallel_loop3A_285 : vector<16xf32>
        %parallel_loop3A_289 = vector.broadcast %squeeze3A : f32 to vector<16xf32>
        %parallel_loop3A_290 = arith.mulf %parallel_loop3A_288, %parallel_loop3A_289 : vector<16xf32>
        %parallel_loop3A_291 = arith.constant 2.047000e+03 : f32
        %parallel_loop3A_292 = vector.broadcast %parallel_loop3A_291 : f32 to vector<16xf32>
        %parallel_loop3A_293 = arith.minimumf %parallel_loop3A_290, %parallel_loop3A_292 : vector<16xf32>
        %parallel_loop3A_294 = arith.fptosi %parallel_loop3A_293 : vector<16xf32> to vector<16xi32>
        %parallel_loop3A_295 = tpu.memref_slice %arg14[%mul3A_90] : memref<38912xf32, #tpu.memory_space<vmem>> -> memref<2048xf32, #tpu.memory_space<vmem>>
        tpu.vector_store_idx %parallel_loop3A_295[%parallel_loop3A_294], %broadcast_in_dim3A_8 {add = true} : memref<2048xf32, #tpu.memory_space<vmem>>[vector<16xi32>], vector<16xf32>,
      } {sc.loop_unroll_factor = 16 : i64, sc.parallel_access}
      %add3A_94 = arith.constant 1 : i32
      %add3A_95 = arith.addi %mul3A_45, %add3A_94 : i32
      %add3A_96 = arith.constant 4 : i32
      %add3A_97 = arith.addi %add3A_95, %add3A_96 : i32
      %sub3A_98 = arith.constant 1 : i32
      %sub3A_99 = arith.subi %add3A_97, %sub3A_98 : i32
      %lt3A_100 = arith.constant 76 : i32
      %lt3A_101 = arith.cmpi slt, %sub3A_99, %lt3A_100 : i32
      %convert_element_type3A_102 = arith.extui %lt3A_101 : i1 to i32
      %cond3A_103 = arith.constant 0 : i32
      %cond3A_104 = arith.cmpi ne, %convert_element_type3A_102, %cond3A_103 : i32
      scf.if %cond3A_104 {
        %add3A_274 = arith.constant 1 : i32
        %add3A_275 = arith.addi %mul3A_45, %add3A_274 : i32
        %add3A_276 = arith.constant 4 : i32
        %add3A_277 = arith.addi %add3A_275, %add3A_276 : i32
        %sub3A_278 = arith.constant 1 : i32
        %sub3A_279 = arith.subi %add3A_277, %sub3A_278 : i32
        %jit3A_280 = arith.constant 4 : i32
        %div3A_281 = arith.divsi %sub3A_279, %jit3A_280 : i32
        %sign3A_282 = arith.constant 0 : i32
        %sign3A_283 = arith.cmpi sgt, %sub3A_279, %sign3A_282 : i32
        %sign3A_284 = arith.extui %sign3A_283 : i1 to i32
        %sign3A_285 = arith.constant 0 : i32
        %sign3A_286 = arith.cmpi slt, %sub3A_279, %sign3A_285 : i32
        %sign3A_287 = arith.extui %sign3A_286 : i1 to i32
        %sign3A_288 = arith.subi %sign3A_284, %sign3A_287 : i32
        %sign3A_289 = arith.constant 0 : i32
        %sign3A_290 = arith.cmpi sgt, %jit3A_280, %sign3A_289 : i32
        %sign3A_291 = arith.extui %sign3A_290 : i1 to i32
        %sign3A_292 = arith.constant 0 : i32
        %sign3A_293 = arith.cmpi slt, %jit3A_280, %sign3A_292 : i32
        %sign3A_294 = arith.extui %sign3A_293 : i1 to i32
        %sign3A_295 = arith.subi %sign3A_291, %sign3A_294 : i32
        %ne3A_296 = arith.cmpi ne, %sign3A_288, %sign3A_295 : i32
        %rem3A_297 = arith.remsi %sub3A_279, %jit3A_280 : i32
        %ne3A_298 = arith.constant 0 : i32
        %ne3A_299 = arith.cmpi ne, %rem3A_297, %ne3A_298 : i32
        %and3A_300 = arith.andi %ne3A_296, %ne3A_299 : i1
        %sub3A_301 = arith.constant 1 : i32
        %sub3A_302 = arith.subi %div3A_281, %sub3A_301 : i32
        %select_n3A_303 = arith.select %and3A_300, %sub3A_302, %div3A_281 : i32
        %mul3A_304 = arith.constant 4 : i32
        %mul3A_305 = arith.muli %select_n3A_303, %mul3A_304 : i32
        %sub3A_306 = arith.subi %sub3A_279, %mul3A_305 : i32
        %mul3A_307 = arith.constant 8192 : i32
        %mul3A_308 = arith.muli %sub3A_306, %mul3A_307 : i32
        %add3A_309 = arith.addi %mul3A_3, %mul3A_308 : i32
        %dma_start3A_310 = tpu.memref_slice %arg2[%select_n3A_303, %add3A_309] : memref<19x1048576xf32, #tpu.memory_space<hbm>> -> memref<1x8192xf32, #tpu.memory_space<hbm>>
        %dma_start3A_311 = tpu.memref_slice %arg2[%select_n3A_303, %add3A_309] : memref<19x1048576xf32, #tpu.memory_space<hbm>> -> memref<1x8192xf32, #tpu.memory_space<hbm>>
        tpu.enqueue_dma source(%dma_start3A_311 : memref<1x8192xf32, #tpu.memory_space<hbm>>) target(%arg6 : memref<1x8192xf32, #tpu.memory_space<vmem>>) target_semaphore(%arg15 : memref<!tpu.dma_semaphore, #tpu.memory_space<semaphore_mem>>)
        %dma_start3A_312 = tpu.memref_slice %arg3[%select_n3A_303, %add3A_309] : memref<19x1048576xi32, #tpu.memory_space<hbm>> -> memref<1x8192xi32, #tpu.memory_space<hbm>>
        %dma_start3A_313 = tpu.memref_slice %arg3[%select_n3A_303, %add3A_309] : memref<19x1048576xi32, #tpu.memory_space<hbm>> -> memref<1x8192xi32, #tpu.memory_space<hbm>>
        tpu.enqueue_dma source(%dma_start3A_313 : memref<1x8192xi32, #tpu.memory_space<hbm>>) target(%arg10 : memref<1x8192xi32, #tpu.memory_space<vmem>>) target_semaphore(%arg19 : memref<!tpu.dma_semaphore, #tpu.memory_space<semaphore_mem>>)
      } else {
      }
      %dma_wait3A_105 = arith.constant 0 : i32
      %dma_wait3A_106 = arith.constant 0 : i32
      %dma_wait3A_107 = tpu.memref_slice %arg2[%dma_wait3A_105, %dma_wait3A_106] : memref<19x1048576xf32, #tpu.memory_space<hbm>> -> memref<1x8192xf32, #tpu.memory_space<hbm>>
      %dma_wait3A_108 = arith.constant 0 : i32
      %dma_wait3A_109 = arith.constant 0 : i32
      %dma_wait3A_110 = tpu.memref_slice %arg2[%dma_wait3A_108, %dma_wait3A_109] : memref<19x1048576xf32, #tpu.memory_space<hbm>> -> memref<1x8192xf32, #tpu.memory_space<hbm>>
      tpu.wait_dma2 semaphore(%arg16 : memref<!tpu.dma_semaphore, #tpu.memory_space<semaphore_mem>>) src(%dma_wait3A_110 : memref<1x8192xf32, #tpu.memory_space<hbm>>) dst(%arg7 : memref<1x8192xf32, #tpu.memory_space<vmem>>)
      %dma_wait3A_111 = arith.constant 0 : i32
      %dma_wait3A_112 = arith.constant 0 : i32
      %dma_wait3A_113 = tpu.memref_slice %arg3[%dma_wait3A_111, %dma_wait3A_112] : memref<19x1048576xi32, #tpu.memory_space<hbm>> -> memref<1x8192xi32, #tpu.memory_space<hbm>>
      %dma_wait3A_114 = arith.constant 0 : i32
      %dma_wait3A_115 = arith.constant 0 : i32
      %dma_wait3A_116 = tpu.memref_slice %arg3[%dma_wait3A_114, %dma_wait3A_115] : memref<19x1048576xi32, #tpu.memory_space<hbm>> -> memref<1x8192xi32, #tpu.memory_space<hbm>>
      tpu.wait_dma2 semaphore(%arg20 : memref<!tpu.dma_semaphore, #tpu.memory_space<semaphore_mem>>) src(%dma_wait3A_116 : memref<1x8192xi32, #tpu.memory_space<hbm>>) dst(%arg11 : memref<1x8192xi32, #tpu.memory_space<vmem>>)
      %add3A_117 = arith.constant 1 : i32
      %add3A_118 = arith.addi %mul3A_45, %add3A_117 : i32
      %jit3A_119 = arith.constant 4 : i32
      %div3A_120 = arith.divsi %add3A_118, %jit3A_119 : i32
      %sign3A_121 = arith.constant 0 : i32
      %sign3A_122 = arith.cmpi sgt, %add3A_118, %sign3A_121 : i32
      %sign3A_123 = arith.extui %sign3A_122 : i1 to i32
      %sign3A_124 = arith.constant 0 : i32
      %sign3A_125 = arith.cmpi slt, %add3A_118, %sign3A_124 : i32
      %sign3A_126 = arith.extui %sign3A_125 : i1 to i32
      %sign3A_127 = arith.subi %sign3A_123, %sign3A_126 : i32
      %sign3A_128 = arith.constant 0 : i32
      %sign3A_129 = arith.cmpi sgt, %jit3A_119, %sign3A_128 : i32
      %sign3A_130 = arith.extui %sign3A_129 : i1 to i32
      %sign3A_131 = arith.constant 0 : i32
      %sign3A_132 = arith.cmpi slt, %jit3A_119, %sign3A_131 : i32
      %sign3A_133 = arith.extui %sign3A_132 : i1 to i32
      %sign3A_134 = arith.subi %sign3A_130, %sign3A_133 : i32
      %ne3A_135 = arith.cmpi ne, %sign3A_127, %sign3A_134 : i32
      %rem3A_136 = arith.remsi %add3A_118, %jit3A_119 : i32
      %ne3A_137 = arith.constant 0 : i32
      %ne3A_138 = arith.cmpi ne, %rem3A_136, %ne3A_137 : i32
      %and3A_139 = arith.andi %ne3A_135, %ne3A_138 : i1
      %sub3A_140 = arith.constant 1 : i32
      %sub3A_141 = arith.subi %div3A_120, %sub3A_140 : i32
      %select_n3A_142 = arith.select %and3A_139, %sub3A_141, %div3A_120 : i32
      %mul3A_143 = arith.constant 4 : i32
      %mul3A_144 = arith.muli %select_n3A_142, %mul3A_143 : i32
      %sub3A_145 = arith.subi %add3A_118, %mul3A_144 : i32
      %mul3A_146 = arith.constant 8192 : i32
      %mul3A_147 = arith.muli %sub3A_145, %mul3A_146 : i32
      %add3A_148 = arith.addi %mul3A_3, %mul3A_147 : i32
      %mul3A_149 = arith.constant 2048 : i32
      %mul3A_150 = arith.muli %select_n3A_142, %mul3A_149 : i32
      %parallel_loop3A_151 = arith.constant 0 : i32
      %parallel_loop3A_152 = arith.constant 512 : i32
      %parallel_loop3A_153 = arith.constant 1 : i32
      scf.for %parallel_loop3A_274 = %parallel_loop3A_151 to %parallel_loop3A_152 step %parallel_loop3A_153  : i32 {
        %parallel_loop3A_275 = arith.constant 16 : i32
        %parallel_loop3A_276 = arith.muli %parallel_loop3A_274, %parallel_loop3A_275 : i32
        %parallel_loop3A_277 = arith.constant 0 : i32
        %parallel_loop3A_278 = arith.index_cast %parallel_loop3A_277 : i32 to index
        %parallel_loop3A_279 = arith.index_cast %parallel_loop3A_276 : i32 to index
        %parallel_loop3A_280 = tpu.vector_load %arg7[%parallel_loop3A_278, %parallel_loop3A_279] {strides = array<i32>} : memref<1x8192xf32, #tpu.memory_space<vmem>>, vector<16xf32>,
        %parallel_loop3A_281 = arith.constant 0 : i32
        %parallel_loop3A_282 = arith.index_cast %parallel_loop3A_281 : i32 to index
        %parallel_loop3A_283 = arith.index_cast %parallel_loop3A_276 : i32 to index
        %parallel_loop3A_284 = tpu.vector_load %arg11[%parallel_loop3A_282, %parallel_loop3A_283] {strides = array<i32>} : memref<1x8192xi32, #tpu.memory_space<vmem>>, vector<16xi32>,
        %parallel_loop3A_285 = arith.sitofp %parallel_loop3A_284 : vector<16xi32> to vector<16xf32>
        %parallel_loop3A_286 = arith.subf %parallel_loop3A_285, %parallel_loop3A_280 : vector<16xf32>
        %parallel_loop3A_287 = math.absf %parallel_loop3A_286 : vector<16xf32>
        %parallel_loop3A_288 = arith.addf %parallel_loop3A_287, %parallel_loop3A_285 : vector<16xf32>
        %parallel_loop3A_289 = vector.broadcast %squeeze3A : f32 to vector<16xf32>
        %parallel_loop3A_290 = arith.mulf %parallel_loop3A_288, %parallel_loop3A_289 : vector<16xf32>
        %parallel_loop3A_291 = arith.constant 2.047000e+03 : f32
        %parallel_loop3A_292 = vector.broadcast %parallel_loop3A_291 : f32 to vector<16xf32>
        %parallel_loop3A_293 = arith.minimumf %parallel_loop3A_290, %parallel_loop3A_292 : vector<16xf32>
        %parallel_loop3A_294 = arith.fptosi %parallel_loop3A_293 : vector<16xf32> to vector<16xi32>
        %parallel_loop3A_295 = tpu.memref_slice %arg14[%mul3A_150] : memref<38912xf32, #tpu.memory_space<vmem>> -> memref<2048xf32, #tpu.memory_space<vmem>>
        tpu.vector_store_idx %parallel_loop3A_295[%parallel_loop3A_294], %broadcast_in_dim3A_8 {add = true} : memref<2048xf32, #tpu.memory_space<vmem>>[vector<16xi32>], vector<16xf32>,
      } {sc.loop_unroll_factor = 16 : i64, sc.parallel_access}
      %add3A_154 = arith.constant 2 : i32
      %add3A_155 = arith.addi %mul3A_45, %add3A_154 : i32
      %add3A_156 = arith.constant 4 : i32
      %add3A_157 = arith.addi %add3A_155, %add3A_156 : i32
      %sub3A_158 = arith.constant 1 : i32
      %sub3A_159 = arith.subi %add3A_157, %sub3A_158 : i32
      %lt3A_160 = arith.constant 76 : i32
      %lt3A_161 = arith.cmpi slt, %sub3A_159, %lt3A_160 : i32
      %convert_element_type3A_162 = arith.extui %lt3A_161 : i1 to i32
      %cond3A_163 = arith.constant 0 : i32
      %cond3A_164 = arith.cmpi ne, %convert_element_type3A_162, %cond3A_163 : i32
      scf.if %cond3A_164 {
        %add3A_274 = arith.constant 2 : i32
        %add3A_275 = arith.addi %mul3A_45, %add3A_274 : i32
        %add3A_276 = arith.constant 4 : i32
        %add3A_277 = arith.addi %add3A_275, %add3A_276 : i32
        %sub3A_278 = arith.constant 1 : i32
        %sub3A_279 = arith.subi %add3A_277, %sub3A_278 : i32
        %jit3A_280 = arith.constant 4 : i32
        %div3A_281 = arith.divsi %sub3A_279, %jit3A_280 : i32
        %sign3A_282 = arith.constant 0 : i32
        %sign3A_283 = arith.cmpi sgt, %sub3A_279, %sign3A_282 : i32
        %sign3A_284 = arith.extui %sign3A_283 : i1 to i32
        %sign3A_285 = arith.constant 0 : i32
        %sign3A_286 = arith.cmpi slt, %sub3A_279, %sign3A_285 : i32
        %sign3A_287 = arith.extui %sign3A_286 : i1 to i32
        %sign3A_288 = arith.subi %sign3A_284, %sign3A_287 : i32
        %sign3A_289 = arith.constant 0 : i32
        %sign3A_290 = arith.cmpi sgt, %jit3A_280, %sign3A_289 : i32
        %sign3A_291 = arith.extui %sign3A_290 : i1 to i32
        %sign3A_292 = arith.constant 0 : i32
        %sign3A_293 = arith.cmpi slt, %jit3A_280, %sign3A_292 : i32
        %sign3A_294 = arith.extui %sign3A_293 : i1 to i32
        %sign3A_295 = arith.subi %sign3A_291, %sign3A_294 : i32
        %ne3A_296 = arith.cmpi ne, %sign3A_288, %sign3A_295 : i32
        %rem3A_297 = arith.remsi %sub3A_279, %jit3A_280 : i32
        %ne3A_298 = arith.constant 0 : i32
        %ne3A_299 = arith.cmpi ne, %rem3A_297, %ne3A_298 : i32
        %and3A_300 = arith.andi %ne3A_296, %ne3A_299 : i1
        %sub3A_301 = arith.constant 1 : i32
        %sub3A_302 = arith.subi %div3A_281, %sub3A_301 : i32
        %select_n3A_303 = arith.select %and3A_300, %sub3A_302, %div3A_281 : i32
        %mul3A_304 = arith.constant 4 : i32
        %mul3A_305 = arith.muli %select_n3A_303, %mul3A_304 : i32
        %sub3A_306 = arith.subi %sub3A_279, %mul3A_305 : i32
        %mul3A_307 = arith.constant 8192 : i32
        %mul3A_308 = arith.muli %sub3A_306, %mul3A_307 : i32
        %add3A_309 = arith.addi %mul3A_3, %mul3A_308 : i32
        %dma_start3A_310 = tpu.memref_slice %arg2[%select_n3A_303, %add3A_309] : memref<19x1048576xf32, #tpu.memory_space<hbm>> -> memref<1x8192xf32, #tpu.memory_space<hbm>>
        %dma_start3A_311 = tpu.memref_slice %arg2[%select_n3A_303, %add3A_309] : memref<19x1048576xf32, #tpu.memory_space<hbm>> -> memref<1x8192xf32, #tpu.memory_space<hbm>>
        tpu.enqueue_dma source(%dma_start3A_311 : memref<1x8192xf32, #tpu.memory_space<hbm>>) target(%arg7 : memref<1x8192xf32, #tpu.memory_space<vmem>>) target_semaphore(%arg16 : memref<!tpu.dma_semaphore, #tpu.memory_space<semaphore_mem>>)
        %dma_start3A_312 = tpu.memref_slice %arg3[%select_n3A_303, %add3A_309] : memref<19x1048576xi32, #tpu.memory_space<hbm>> -> memref<1x8192xi32, #tpu.memory_space<hbm>>
        %dma_start3A_313 = tpu.memref_slice %arg3[%select_n3A_303, %add3A_309] : memref<19x1048576xi32, #tpu.memory_space<hbm>> -> memref<1x8192xi32, #tpu.memory_space<hbm>>
        tpu.enqueue_dma source(%dma_start3A_313 : memref<1x8192xi32, #tpu.memory_space<hbm>>) target(%arg11 : memref<1x8192xi32, #tpu.memory_space<vmem>>) target_semaphore(%arg20 : memref<!tpu.dma_semaphore, #tpu.memory_space<semaphore_mem>>)
      } else {
      }
      %dma_wait3A_165 = arith.constant 0 : i32
      %dma_wait3A_166 = arith.constant 0 : i32
      %dma_wait3A_167 = tpu.memref_slice %arg2[%dma_wait3A_165, %dma_wait3A_166] : memref<19x1048576xf32, #tpu.memory_space<hbm>> -> memref<1x8192xf32, #tpu.memory_space<hbm>>
      %dma_wait3A_168 = arith.constant 0 : i32
      %dma_wait3A_169 = arith.constant 0 : i32
      %dma_wait3A_170 = tpu.memref_slice %arg2[%dma_wait3A_168, %dma_wait3A_169] : memref<19x1048576xf32, #tpu.memory_space<hbm>> -> memref<1x8192xf32, #tpu.memory_space<hbm>>
      tpu.wait_dma2 semaphore(%arg17 : memref<!tpu.dma_semaphore, #tpu.memory_space<semaphore_mem>>) src(%dma_wait3A_170 : memref<1x8192xf32, #tpu.memory_space<hbm>>) dst(%arg8 : memref<1x8192xf32, #tpu.memory_space<vmem>>)
      %dma_wait3A_171 = arith.constant 0 : i32
      %dma_wait3A_172 = arith.constant 0 : i32
      %dma_wait3A_173 = tpu.memref_slice %arg3[%dma_wait3A_171, %dma_wait3A_172] : memref<19x1048576xi32, #tpu.memory_space<hbm>> -> memref<1x8192xi32, #tpu.memory_space<hbm>>
      %dma_wait3A_174 = arith.constant 0 : i32
      %dma_wait3A_175 = arith.constant 0 : i32
      %dma_wait3A_176 = tpu.memref_slice %arg3[%dma_wait3A_174, %dma_wait3A_175] : memref<19x1048576xi32, #tpu.memory_space<hbm>> -> memref<1x8192xi32, #tpu.memory_space<hbm>>
      tpu.wait_dma2 semaphore(%arg21 : memref<!tpu.dma_semaphore, #tpu.memory_space<semaphore_mem>>) src(%dma_wait3A_176 : memref<1x8192xi32, #tpu.memory_space<hbm>>) dst(%arg12 : memref<1x8192xi32, #tpu.memory_space<vmem>>)
      %add3A_177 = arith.constant 2 : i32
      %add3A_178 = arith.addi %mul3A_45, %add3A_177 : i32
      %jit3A_179 = arith.constant 4 : i32
      %div3A_180 = arith.divsi %add3A_178, %jit3A_179 : i32
      %sign3A_181 = arith.constant 0 : i32
      %sign3A_182 = arith.cmpi sgt, %add3A_178, %sign3A_181 : i32
      %sign3A_183 = arith.extui %sign3A_182 : i1 to i32
      %sign3A_184 = arith.constant 0 : i32
      %sign3A_185 = arith.cmpi slt, %add3A_178, %sign3A_184 : i32
      %sign3A_186 = arith.extui %sign3A_185 : i1 to i32
      %sign3A_187 = arith.subi %sign3A_183, %sign3A_186 : i32
      %sign3A_188 = arith.constant 0 : i32
      %sign3A_189 = arith.cmpi sgt, %jit3A_179, %sign3A_188 : i32
      %sign3A_190 = arith.extui %sign3A_189 : i1 to i32
      %sign3A_191 = arith.constant 0 : i32
      %sign3A_192 = arith.cmpi slt, %jit3A_179, %sign3A_191 : i32
      %sign3A_193 = arith.extui %sign3A_192 : i1 to i32
      %sign3A_194 = arith.subi %sign3A_190, %sign3A_193 : i32
      %ne3A_195 = arith.cmpi ne, %sign3A_187, %sign3A_194 : i32
      %rem3A_196 = arith.remsi %add3A_178, %jit3A_179 : i32
      %ne3A_197 = arith.constant 0 : i32
      %ne3A_198 = arith.cmpi ne, %rem3A_196, %ne3A_197 : i32
      %and3A_199 = arith.andi %ne3A_195, %ne3A_198 : i1
      %sub3A_200 = arith.constant 1 : i32
      %sub3A_201 = arith.subi %div3A_180, %sub3A_200 : i32
      %select_n3A_202 = arith.select %and3A_199, %sub3A_201, %div3A_180 : i32
      %mul3A_203 = arith.constant 4 : i32
      %mul3A_204 = arith.muli %select_n3A_202, %mul3A_203 : i32
      %sub3A_205 = arith.subi %add3A_178, %mul3A_204 : i32
      %mul3A_206 = arith.constant 8192 : i32
      %mul3A_207 = arith.muli %sub3A_205, %mul3A_206 : i32
      %add3A_208 = arith.addi %mul3A_3, %mul3A_207 : i32
      %mul3A_209 = arith.constant 2048 : i32
      %mul3A_210 = arith.muli %select_n3A_202, %mul3A_209 : i32
      %parallel_loop3A_211 = arith.constant 0 : i32
      %parallel_loop3A_212 = arith.constant 512 : i32
      %parallel_loop3A_213 = arith.constant 1 : i32
      scf.for %parallel_loop3A_274 = %parallel_loop3A_211 to %parallel_loop3A_212 step %parallel_loop3A_213  : i32 {
        %parallel_loop3A_275 = arith.constant 16 : i32
        %parallel_loop3A_276 = arith.muli %parallel_loop3A_274, %parallel_loop3A_275 : i32
        %parallel_loop3A_277 = arith.constant 0 : i32
        %parallel_loop3A_278 = arith.index_cast %parallel_loop3A_277 : i32 to index
        %parallel_loop3A_279 = arith.index_cast %parallel_loop3A_276 : i32 to index
        %parallel_loop3A_280 = tpu.vector_load %arg8[%parallel_loop3A_278, %parallel_loop3A_279] {strides = array<i32>} : memref<1x8192xf32, #tpu.memory_space<vmem>>, vector<16xf32>,
        %parallel_loop3A_281 = arith.constant 0 : i32
        %parallel_loop3A_282 = arith.index_cast %parallel_loop3A_281 : i32 to index
        %parallel_loop3A_283 = arith.index_cast %parallel_loop3A_276 : i32 to index
        %parallel_loop3A_284 = tpu.vector_load %arg12[%parallel_loop3A_282, %parallel_loop3A_283] {strides = array<i32>} : memref<1x8192xi32, #tpu.memory_space<vmem>>, vector<16xi32>,
        %parallel_loop3A_285 = arith.sitofp %parallel_loop3A_284 : vector<16xi32> to vector<16xf32>
        %parallel_loop3A_286 = arith.subf %parallel_loop3A_285, %parallel_loop3A_280 : vector<16xf32>
        %parallel_loop3A_287 = math.absf %parallel_loop3A_286 : vector<16xf32>
        %parallel_loop3A_288 = arith.addf %parallel_loop3A_287, %parallel_loop3A_285 : vector<16xf32>
        %parallel_loop3A_289 = vector.broadcast %squeeze3A : f32 to vector<16xf32>
        %parallel_loop3A_290 = arith.mulf %parallel_loop3A_288, %parallel_loop3A_289 : vector<16xf32>
        %parallel_loop3A_291 = arith.constant 2.047000e+03 : f32
        %parallel_loop3A_292 = vector.broadcast %parallel_loop3A_291 : f32 to vector<16xf32>
        %parallel_loop3A_293 = arith.minimumf %parallel_loop3A_290, %parallel_loop3A_292 : vector<16xf32>
        %parallel_loop3A_294 = arith.fptosi %parallel_loop3A_293 : vector<16xf32> to vector<16xi32>
        %parallel_loop3A_295 = tpu.memref_slice %arg14[%mul3A_210] : memref<38912xf32, #tpu.memory_space<vmem>> -> memref<2048xf32, #tpu.memory_space<vmem>>
        tpu.vector_store_idx %parallel_loop3A_295[%parallel_loop3A_294], %broadcast_in_dim3A_8 {add = true} : memref<2048xf32, #tpu.memory_space<vmem>>[vector<16xi32>], vector<16xf32>,
      } {sc.loop_unroll_factor = 16 : i64, sc.parallel_access}
      %add3A_214 = arith.constant 3 : i32
      %add3A_215 = arith.addi %mul3A_45, %add3A_214 : i32
      %add3A_216 = arith.constant 4 : i32
      %add3A_217 = arith.addi %add3A_215, %add3A_216 : i32
      %sub3A_218 = arith.constant 1 : i32
      %sub3A_219 = arith.subi %add3A_217, %sub3A_218 : i32
      %lt3A_220 = arith.constant 76 : i32
      %lt3A_221 = arith.cmpi slt, %sub3A_219, %lt3A_220 : i32
      %convert_element_type3A_222 = arith.extui %lt3A_221 : i1 to i32
      %cond3A_223 = arith.constant 0 : i32
      %cond3A_224 = arith.cmpi ne, %convert_element_type3A_222, %cond3A_223 : i32
      scf.if %cond3A_224 {
        %add3A_274 = arith.constant 3 : i32
        %add3A_275 = arith.addi %mul3A_45, %add3A_274 : i32
        %add3A_276 = arith.constant 4 : i32
        %add3A_277 = arith.addi %add3A_275, %add3A_276 : i32
        %sub3A_278 = arith.constant 1 : i32
        %sub3A_279 = arith.subi %add3A_277, %sub3A_278 : i32
        %jit3A_280 = arith.constant 4 : i32
        %div3A_281 = arith.divsi %sub3A_279, %jit3A_280 : i32
        %sign3A_282 = arith.constant 0 : i32
        %sign3A_283 = arith.cmpi sgt, %sub3A_279, %sign3A_282 : i32
        %sign3A_284 = arith.extui %sign3A_283 : i1 to i32
        %sign3A_285 = arith.constant 0 : i32
        %sign3A_286 = arith.cmpi slt, %sub3A_279, %sign3A_285 : i32
        %sign3A_287 = arith.extui %sign3A_286 : i1 to i32
        %sign3A_288 = arith.subi %sign3A_284, %sign3A_287 : i32
        %sign3A_289 = arith.constant 0 : i32
        %sign3A_290 = arith.cmpi sgt, %jit3A_280, %sign3A_289 : i32
        %sign3A_291 = arith.extui %sign3A_290 : i1 to i32
        %sign3A_292 = arith.constant 0 : i32
        %sign3A_293 = arith.cmpi slt, %jit3A_280, %sign3A_292 : i32
        %sign3A_294 = arith.extui %sign3A_293 : i1 to i32
        %sign3A_295 = arith.subi %sign3A_291, %sign3A_294 : i32
        %ne3A_296 = arith.cmpi ne, %sign3A_288, %sign3A_295 : i32
        %rem3A_297 = arith.remsi %sub3A_279, %jit3A_280 : i32
        %ne3A_298 = arith.constant 0 : i32
        %ne3A_299 = arith.cmpi ne, %rem3A_297, %ne3A_298 : i32
        %and3A_300 = arith.andi %ne3A_296, %ne3A_299 : i1
        %sub3A_301 = arith.constant 1 : i32
        %sub3A_302 = arith.subi %div3A_281, %sub3A_301 : i32
        %select_n3A_303 = arith.select %and3A_300, %sub3A_302, %div3A_281 : i32
        %mul3A_304 = arith.constant 4 : i32
        %mul3A_305 = arith.muli %select_n3A_303, %mul3A_304 : i32
        %sub3A_306 = arith.subi %sub3A_279, %mul3A_305 : i32
        %mul3A_307 = arith.constant 8192 : i32
        %mul3A_308 = arith.muli %sub3A_306, %mul3A_307 : i32
        %add3A_309 = arith.addi %mul3A_3, %mul3A_308 : i32
        %dma_start3A_310 = tpu.memref_slice %arg2[%select_n3A_303, %add3A_309] : memref<19x1048576xf32, #tpu.memory_space<hbm>> -> memref<1x8192xf32, #tpu.memory_space<hbm>>
        %dma_start3A_311 = tpu.memref_slice %arg2[%select_n3A_303, %add3A_309] : memref<19x1048576xf32, #tpu.memory_space<hbm>> -> memref<1x8192xf32, #tpu.memory_space<hbm>>
        tpu.enqueue_dma source(%dma_start3A_311 : memref<1x8192xf32, #tpu.memory_space<hbm>>) target(%arg8 : memref<1x8192xf32, #tpu.memory_space<vmem>>) target_semaphore(%arg17 : memref<!tpu.dma_semaphore, #tpu.memory_space<semaphore_mem>>)
        %dma_start3A_312 = tpu.memref_slice %arg3[%select_n3A_303, %add3A_309] : memref<19x1048576xi32, #tpu.memory_space<hbm>> -> memref<1x8192xi32, #tpu.memory_space<hbm>>
        %dma_start3A_313 = tpu.memref_slice %arg3[%select_n3A_303, %add3A_309] : memref<19x1048576xi32, #tpu.memory_space<hbm>> -> memref<1x8192xi32, #tpu.memory_space<hbm>>
        tpu.enqueue_dma source(%dma_start3A_313 : memref<1x8192xi32, #tpu.memory_space<hbm>>) target(%arg12 : memref<1x8192xi32, #tpu.memory_space<vmem>>) target_semaphore(%arg21 : memref<!tpu.dma_semaphore, #tpu.memory_space<semaphore_mem>>)
      } else {
      }
      %dma_wait3A_225 = arith.constant 0 : i32
      %dma_wait3A_226 = arith.constant 0 : i32
      %dma_wait3A_227 = tpu.memref_slice %arg2[%dma_wait3A_225, %dma_wait3A_226] : memref<19x1048576xf32, #tpu.memory_space<hbm>> -> memref<1x8192xf32, #tpu.memory_space<hbm>>
      %dma_wait3A_228 = arith.constant 0 : i32
      %dma_wait3A_229 = arith.constant 0 : i32
      %dma_wait3A_230 = tpu.memref_slice %arg2[%dma_wait3A_228, %dma_wait3A_229] : memref<19x1048576xf32, #tpu.memory_space<hbm>> -> memref<1x8192xf32, #tpu.memory_space<hbm>>
      tpu.wait_dma2 semaphore(%arg18 : memref<!tpu.dma_semaphore, #tpu.memory_space<semaphore_mem>>) src(%dma_wait3A_230 : memref<1x8192xf32, #tpu.memory_space<hbm>>) dst(%arg9 : memref<1x8192xf32, #tpu.memory_space<vmem>>)
      %dma_wait3A_231 = arith.constant 0 : i32
      %dma_wait3A_232 = arith.constant 0 : i32
      %dma_wait3A_233 = tpu.memref_slice %arg3[%dma_wait3A_231, %dma_wait3A_232] : memref<19x1048576xi32, #tpu.memory_space<hbm>> -> memref<1x8192xi32, #tpu.memory_space<hbm>>
      %dma_wait3A_234 = arith.constant 0 : i32
      %dma_wait3A_235 = arith.constant 0 : i32
      %dma_wait3A_236 = tpu.memref_slice %arg3[%dma_wait3A_234, %dma_wait3A_235] : memref<19x1048576xi32, #tpu.memory_space<hbm>> -> memref<1x8192xi32, #tpu.memory_space<hbm>>
      tpu.wait_dma2 semaphore(%arg22 : memref<!tpu.dma_semaphore, #tpu.memory_space<semaphore_mem>>) src(%dma_wait3A_236 : memref<1x8192xi32, #tpu.memory_space<hbm>>) dst(%arg13 : memref<1x8192xi32, #tpu.memory_space<vmem>>)
      %add3A_237 = arith.constant 3 : i32
      %add3A_238 = arith.addi %mul3A_45, %add3A_237 : i32
      %jit3A_239 = arith.constant 4 : i32
      %div3A_240 = arith.divsi %add3A_238, %jit3A_239 : i32
      %sign3A_241 = arith.constant 0 : i32
      %sign3A_242 = arith.cmpi sgt, %add3A_238, %sign3A_241 : i32
      %sign3A_243 = arith.extui %sign3A_242 : i1 to i32
      %sign3A_244 = arith.constant 0 : i32
      %sign3A_245 = arith.cmpi slt, %add3A_238, %sign3A_244 : i32
      %sign3A_246 = arith.extui %sign3A_245 : i1 to i32
      %sign3A_247 = arith.subi %sign3A_243, %sign3A_246 : i32
      %sign3A_248 = arith.constant 0 : i32
      %sign3A_249 = arith.cmpi sgt, %jit3A_239, %sign3A_248 : i32
      %sign3A_250 = arith.extui %sign3A_249 : i1 to i32
      %sign3A_251 = arith.constant 0 : i32
      %sign3A_252 = arith.cmpi slt, %jit3A_239, %sign3A_251 : i32
      %sign3A_253 = arith.extui %sign3A_252 : i1 to i32
      %sign3A_254 = arith.subi %sign3A_250, %sign3A_253 : i32
      %ne3A_255 = arith.cmpi ne, %sign3A_247, %sign3A_254 : i32
      %rem3A_256 = arith.remsi %add3A_238, %jit3A_239 : i32
      %ne3A_257 = arith.constant 0 : i32
      %ne3A_258 = arith.cmpi ne, %rem3A_256, %ne3A_257 : i32
      %and3A_259 = arith.andi %ne3A_255, %ne3A_258 : i1
      %sub3A_260 = arith.constant 1 : i32
      %sub3A_261 = arith.subi %div3A_240, %sub3A_260 : i32
      %select_n3A_262 = arith.select %and3A_259, %sub3A_261, %div3A_240 : i32
      %mul3A_263 = arith.constant 4 : i32
      %mul3A_264 = arith.muli %select_n3A_262, %mul3A_263 : i32
      %sub3A_265 = arith.subi %add3A_238, %mul3A_264 : i32
      %mul3A_266 = arith.constant 8192 : i32
      %mul3A_267 = arith.muli %sub3A_265, %mul3A_266 : i32
      %add3A_268 = arith.addi %mul3A_3, %mul3A_267 : i32
      %mul3A_269 = arith.constant 2048 : i32
      %mul3A_270 = arith.muli %select_n3A_262, %mul3A_269 : i32
      %parallel_loop3A_271 = arith.constant 0 : i32
      %parallel_loop3A_272 = arith.constant 512 : i32
      %parallel_loop3A_273 = arith.constant 1 : i32
      scf.for %parallel_loop3A_274 = %parallel_loop3A_271 to %parallel_loop3A_272 step %parallel_loop3A_273  : i32 {
        %parallel_loop3A_275 = arith.constant 16 : i32
        %parallel_loop3A_276 = arith.muli %parallel_loop3A_274, %parallel_loop3A_275 : i32
        %parallel_loop3A_277 = arith.constant 0 : i32
        %parallel_loop3A_278 = arith.index_cast %parallel_loop3A_277 : i32 to index
        %parallel_loop3A_279 = arith.index_cast %parallel_loop3A_276 : i32 to index
        %parallel_loop3A_280 = tpu.vector_load %arg9[%parallel_loop3A_278, %parallel_loop3A_279] {strides = array<i32>} : memref<1x8192xf32, #tpu.memory_space<vmem>>, vector<16xf32>,
        %parallel_loop3A_281 = arith.constant 0 : i32
        %parallel_loop3A_282 = arith.index_cast %parallel_loop3A_281 : i32 to index
        %parallel_loop3A_283 = arith.index_cast %parallel_loop3A_276 : i32 to index
        %parallel_loop3A_284 = tpu.vector_load %arg13[%parallel_loop3A_282, %parallel_loop3A_283] {strides = array<i32>} : memref<1x8192xi32, #tpu.memory_space<vmem>>, vector<16xi32>,
        %parallel_loop3A_285 = arith.sitofp %parallel_loop3A_284 : vector<16xi32> to vector<16xf32>
        %parallel_loop3A_286 = arith.subf %parallel_loop3A_285, %parallel_loop3A_280 : vector<16xf32>
        %parallel_loop3A_287 = math.absf %parallel_loop3A_286 : vector<16xf32>
        %parallel_loop3A_288 = arith.addf %parallel_loop3A_287, %parallel_loop3A_285 : vector<16xf32>
        %parallel_loop3A_289 = vector.broadcast %squeeze3A : f32 to vector<16xf32>
        %parallel_loop3A_290 = arith.mulf %parallel_loop3A_288, %parallel_loop3A_289 : vector<16xf32>
        %parallel_loop3A_291 = arith.constant 2.047000e+03 : f32
        %parallel_loop3A_292 = vector.broadcast %parallel_loop3A_291 : f32 to vector<16xf32>
        %parallel_loop3A_293 = arith.minimumf %parallel_loop3A_290, %parallel_loop3A_292 : vector<16xf32>
        %parallel_loop3A_294 = arith.fptosi %parallel_loop3A_293 : vector<16xf32> to vector<16xi32>
        %parallel_loop3A_295 = tpu.memref_slice %arg14[%mul3A_270] : memref<38912xf32, #tpu.memory_space<vmem>> -> memref<2048xf32, #tpu.memory_space<vmem>>
        tpu.vector_store_idx %parallel_loop3A_295[%parallel_loop3A_294], %broadcast_in_dim3A_8 {add = true} : memref<2048xf32, #tpu.memory_space<vmem>>[vector<16xi32>], vector<16xf32>,
      } {sc.loop_unroll_factor = 16 : i64, sc.parallel_access}
    }
    %scan3A_42 = arith.constant 19 : i32
    "tpu.region"() ({
      %run_scoped3A = tpu.sem_alloc : memref<!tpu.dma_semaphore, #tpu.memory_space<semaphore_mem>>
      %dma_start3A_43 = arith.constant 0 : i32
      %dma_start3A_44 = tpu.memref_slice %arg5[%add3A, %dma_start3A_43] : memref<32x38912xf32, #tpu.memory_space<hbm>> -> memref<1x38912xf32, #tpu.memory_space<hbm>>
      %dma_start3A_45 = tpu.memref_squeeze %dma_start3A_44 : memref<1x38912xf32, #tpu.memory_space<hbm>> -> memref<38912xf32, #tpu.memory_space<hbm>>
      %dma_start3A_46 = arith.constant 0 : i32
      %dma_start3A_47 = tpu.memref_slice %arg5[%add3A, %dma_start3A_46] : memref<32x38912xf32, #tpu.memory_space<hbm>> -> memref<1x38912xf32, #tpu.memory_space<hbm>>
      %dma_start3A_48 = tpu.memref_squeeze %dma_start3A_47 : memref<1x38912xf32, #tpu.memory_space<hbm>> -> memref<38912xf32, #tpu.memory_space<hbm>>
      tpu.enqueue_dma source(%arg14 : memref<38912xf32, #tpu.memory_space<vmem>>) target(%dma_start3A_48 : memref<38912xf32, #tpu.memory_space<hbm>>) target_semaphore(%run_scoped3A : memref<!tpu.dma_semaphore, #tpu.memory_space<semaphore_mem>>)
      %dma_wait3A = arith.constant 0 : i32
      %dma_wait3A_49 = tpu.memref_slice %arg5[%add3A, %dma_wait3A] : memref<32x38912xf32, #tpu.memory_space<hbm>> -> memref<1x38912xf32, #tpu.memory_space<hbm>>
      %dma_wait3A_50 = tpu.memref_squeeze %dma_wait3A_49 : memref<1x38912xf32, #tpu.memory_space<hbm>> -> memref<38912xf32, #tpu.memory_space<hbm>>
      %dma_wait3A_51 = arith.constant 0 : i32
      %dma_wait3A_52 = tpu.memref_slice %arg5[%add3A, %dma_wait3A_51] : memref<32x38912xf32, #tpu.memory_space<hbm>> -> memref<1x38912xf32, #tpu.memory_space<hbm>>
      %dma_wait3A_53 = tpu.memref_squeeze %dma_wait3A_52 : memref<1x38912xf32, #tpu.memory_space<hbm>> -> memref<38912xf32, #tpu.memory_space<hbm>>
      tpu.wait_dma2 semaphore(%run_scoped3A : memref<!tpu.dma_semaphore, #tpu.memory_space<semaphore_mem>>) src(%arg14 : memref<38912xf32, #tpu.memory_space<vmem>>) dst(%dma_wait3A_53 : memref<38912xf32, #tpu.memory_space<hbm>>)
      tpu.yield
    }) : () -> ()
    return
  }
}

module attributes {stable_mosaic.version = 14 : i64} {
  func.func @body(%arg0: memref<32x38912xf32, #tpu.memory_space<vmem>>, %arg1: memref<1x1xf32, #tpu.memory_space<vmem>>) attributes {dimension_semantics = [], scalar_prefetch = 0 : i64, scratch_operands = 0 : i64, tpu.core_type = #tpu.core_type<tc>} {
    %get3A = arith.constant 0 : index
    %get3A_0 = arith.constant 0 : index
    %get3A_1 = vector.load %arg0[%get3A, %get3A_0] : memref<32x38912xf32, #tpu.memory_space<vmem>>, vector<32x38912xf32>
    %reduce_sum3A = arith.constant dense<0.000000e+00> : vector<38912xf32>
    %reduce_sum3A_2 = vector.multi_reduction <add>, %get3A_1, %reduce_sum3A [0] : vector<32x38912xf32> to vector<38912xf32>
    %broadcast_in_dim3A = vector.shape_cast %reduce_sum3A_2 : vector<38912xf32> to vector<1x38912xf32>
    %slice3A = vector.extract_strided_slice %broadcast_in_dim3A {offsets = [0, 0], sizes = [1, 1024], strides = [1, 1]} : vector<1x38912xf32> to vector<1x1024xf32>
    %slice3A_3 = vector.extract_strided_slice %broadcast_in_dim3A {offsets = [0, 1024], sizes = [1, 1024], strides = [1, 1]} : vector<1x38912xf32> to vector<1x1024xf32>
    %add3A = arith.addf %slice3A, %slice3A_3 : vector<1x1024xf32>
    %slice3A_4 = vector.extract_strided_slice %broadcast_in_dim3A {offsets = [0, 2048], sizes = [1, 1024], strides = [1, 1]} : vector<1x38912xf32> to vector<1x1024xf32>
    %slice3A_5 = vector.extract_strided_slice %broadcast_in_dim3A {offsets = [0, 3072], sizes = [1, 1024], strides = [1, 1]} : vector<1x38912xf32> to vector<1x1024xf32>
    %add3A_6 = arith.addf %slice3A_4, %slice3A_5 : vector<1x1024xf32>
    %slice3A_7 = vector.extract_strided_slice %broadcast_in_dim3A {offsets = [0, 4096], sizes = [1, 1024], strides = [1, 1]} : vector<1x38912xf32> to vector<1x1024xf32>
    %slice3A_8 = vector.extract_strided_slice %broadcast_in_dim3A {offsets = [0, 5120], sizes = [1, 1024], strides = [1, 1]} : vector<1x38912xf32> to vector<1x1024xf32>
    %add3A_9 = arith.addf %slice3A_7, %slice3A_8 : vector<1x1024xf32>
    %slice3A_10 = vector.extract_strided_slice %broadcast_in_dim3A {offsets = [0, 6144], sizes = [1, 1024], strides = [1, 1]} : vector<1x38912xf32> to vector<1x1024xf32>
    %slice3A_11 = vector.extract_strided_slice %broadcast_in_dim3A {offsets = [0, 7168], sizes = [1, 1024], strides = [1, 1]} : vector<1x38912xf32> to vector<1x1024xf32>
    %add3A_12 = arith.addf %slice3A_10, %slice3A_11 : vector<1x1024xf32>
    %slice3A_13 = vector.extract_strided_slice %broadcast_in_dim3A {offsets = [0, 8192], sizes = [1, 1024], strides = [1, 1]} : vector<1x38912xf32> to vector<1x1024xf32>
    %slice3A_14 = vector.extract_strided_slice %broadcast_in_dim3A {offsets = [0, 9216], sizes = [1, 1024], strides = [1, 1]} : vector<1x38912xf32> to vector<1x1024xf32>
    %add3A_15 = arith.addf %slice3A_13, %slice3A_14 : vector<1x1024xf32>
    %slice3A_16 = vector.extract_strided_slice %broadcast_in_dim3A {offsets = [0, 10240], sizes = [1, 1024], strides = [1, 1]} : vector<1x38912xf32> to vector<1x1024xf32>
    %slice3A_17 = vector.extract_strided_slice %broadcast_in_dim3A {offsets = [0, 11264], sizes = [1, 1024], strides = [1, 1]} : vector<1x38912xf32> to vector<1x1024xf32>
    %add3A_18 = arith.addf %slice3A_16, %slice3A_17 : vector<1x1024xf32>
    %slice3A_19 = vector.extract_strided_slice %broadcast_in_dim3A {offsets = [0, 12288], sizes = [1, 1024], strides = [1, 1]} : vector<1x38912xf32> to vector<1x1024xf32>
    %slice3A_20 = vector.extract_strided_slice %broadcast_in_dim3A {offsets = [0, 13312], sizes = [1, 1024], strides = [1, 1]} : vector<1x38912xf32> to vector<1x1024xf32>
    %add3A_21 = arith.addf %slice3A_19, %slice3A_20 : vector<1x1024xf32>
    %slice3A_22 = vector.extract_strided_slice %broadcast_in_dim3A {offsets = [0, 14336], sizes = [1, 1024], strides = [1, 1]} : vector<1x38912xf32> to vector<1x1024xf32>
    %slice3A_23 = vector.extract_strided_slice %broadcast_in_dim3A {offsets = [0, 15360], sizes = [1, 1024], strides = [1, 1]} : vector<1x38912xf32> to vector<1x1024xf32>
    %add3A_24 = arith.addf %slice3A_22, %slice3A_23 : vector<1x1024xf32>
    %slice3A_25 = vector.extract_strided_slice %broadcast_in_dim3A {offsets = [0, 16384], sizes = [1, 1024], strides = [1, 1]} : vector<1x38912xf32> to vector<1x1024xf32>
    %slice3A_26 = vector.extract_strided_slice %broadcast_in_dim3A {offsets = [0, 17408], sizes = [1, 1024], strides = [1, 1]} : vector<1x38912xf32> to vector<1x1024xf32>
    %add3A_27 = arith.addf %slice3A_25, %slice3A_26 : vector<1x1024xf32>
    %slice3A_28 = vector.extract_strided_slice %broadcast_in_dim3A {offsets = [0, 18432], sizes = [1, 1024], strides = [1, 1]} : vector<1x38912xf32> to vector<1x1024xf32>
    %slice3A_29 = vector.extract_strided_slice %broadcast_in_dim3A {offsets = [0, 19456], sizes = [1, 1024], strides = [1, 1]} : vector<1x38912xf32> to vector<1x1024xf32>
    %add3A_30 = arith.addf %slice3A_28, %slice3A_29 : vector<1x1024xf32>
    %slice3A_31 = vector.extract_strided_slice %broadcast_in_dim3A {offsets = [0, 20480], sizes = [1, 1024], strides = [1, 1]} : vector<1x38912xf32> to vector<1x1024xf32>
    %slice3A_32 = vector.extract_strided_slice %broadcast_in_dim3A {offsets = [0, 21504], sizes = [1, 1024], strides = [1, 1]} : vector<1x38912xf32> to vector<1x1024xf32>
    %add3A_33 = arith.addf %slice3A_31, %slice3A_32 : vector<1x1024xf32>
    %slice3A_34 = vector.extract_strided_slice %broadcast_in_dim3A {offsets = [0, 22528], sizes = [1, 1024], strides = [1, 1]} : vector<1x38912xf32> to vector<1x1024xf32>
    %slice3A_35 = vector.extract_strided_slice %broadcast_in_dim3A {offsets = [0, 23552], sizes = [1, 1024], strides = [1, 1]} : vector<1x38912xf32> to vector<1x1024xf32>
    %add3A_36 = arith.addf %slice3A_34, %slice3A_35 : vector<1x1024xf32>
    %slice3A_37 = vector.extract_strided_slice %broadcast_in_dim3A {offsets = [0, 24576], sizes = [1, 1024], strides = [1, 1]} : vector<1x38912xf32> to vector<1x1024xf32>
    %slice3A_38 = vector.extract_strided_slice %broadcast_in_dim3A {offsets = [0, 25600], sizes = [1, 1024], strides = [1, 1]} : vector<1x38912xf32> to vector<1x1024xf32>
    %add3A_39 = arith.addf %slice3A_37, %slice3A_38 : vector<1x1024xf32>
    %slice3A_40 = vector.extract_strided_slice %broadcast_in_dim3A {offsets = [0, 26624], sizes = [1, 1024], strides = [1, 1]} : vector<1x38912xf32> to vector<1x1024xf32>
    %slice3A_41 = vector.extract_strided_slice %broadcast_in_dim3A {offsets = [0, 27648], sizes = [1, 1024], strides = [1, 1]} : vector<1x38912xf32> to vector<1x1024xf32>
    %add3A_42 = arith.addf %slice3A_40, %slice3A_41 : vector<1x1024xf32>
    %slice3A_43 = vector.extract_strided_slice %broadcast_in_dim3A {offsets = [0, 28672], sizes = [1, 1024], strides = [1, 1]} : vector<1x38912xf32> to vector<1x1024xf32>
    %slice3A_44 = vector.extract_strided_slice %broadcast_in_dim3A {offsets = [0, 29696], sizes = [1, 1024], strides = [1, 1]} : vector<1x38912xf32> to vector<1x1024xf32>
    %add3A_45 = arith.addf %slice3A_43, %slice3A_44 : vector<1x1024xf32>
    %slice3A_46 = vector.extract_strided_slice %broadcast_in_dim3A {offsets = [0, 30720], sizes = [1, 1024], strides = [1, 1]} : vector<1x38912xf32> to vector<1x1024xf32>
    %slice3A_47 = vector.extract_strided_slice %broadcast_in_dim3A {offsets = [0, 31744], sizes = [1, 1024], strides = [1, 1]} : vector<1x38912xf32> to vector<1x1024xf32>
    %add3A_48 = arith.addf %slice3A_46, %slice3A_47 : vector<1x1024xf32>
    %slice3A_49 = vector.extract_strided_slice %broadcast_in_dim3A {offsets = [0, 32768], sizes = [1, 1024], strides = [1, 1]} : vector<1x38912xf32> to vector<1x1024xf32>
    %slice3A_50 = vector.extract_strided_slice %broadcast_in_dim3A {offsets = [0, 33792], sizes = [1, 1024], strides = [1, 1]} : vector<1x38912xf32> to vector<1x1024xf32>
    %add3A_51 = arith.addf %slice3A_49, %slice3A_50 : vector<1x1024xf32>
    %slice3A_52 = vector.extract_strided_slice %broadcast_in_dim3A {offsets = [0, 34816], sizes = [1, 1024], strides = [1, 1]} : vector<1x38912xf32> to vector<1x1024xf32>
    %slice3A_53 = vector.extract_strided_slice %broadcast_in_dim3A {offsets = [0, 35840], sizes = [1, 1024], strides = [1, 1]} : vector<1x38912xf32> to vector<1x1024xf32>
    %add3A_54 = arith.addf %slice3A_52, %slice3A_53 : vector<1x1024xf32>
    %slice3A_55 = vector.extract_strided_slice %broadcast_in_dim3A {offsets = [0, 36864], sizes = [1, 1024], strides = [1, 1]} : vector<1x38912xf32> to vector<1x1024xf32>
    %slice3A_56 = vector.extract_strided_slice %broadcast_in_dim3A {offsets = [0, 37888], sizes = [1, 1024], strides = [1, 1]} : vector<1x38912xf32> to vector<1x1024xf32>
    %add3A_57 = arith.addf %slice3A_55, %slice3A_56 : vector<1x1024xf32>
    %concatenate3A = tpu.concatenate %add3A, %add3A_6, %add3A_9, %add3A_12, %add3A_15, %add3A_18, %add3A_21, %add3A_24, %add3A_27, %add3A_30, %add3A_33, %add3A_36, %add3A_39, %add3A_42, %add3A_45, %add3A_48, %add3A_51, %add3A_54, %add3A_57 in 0 : vector<1x1024xf32>, vector<1x1024xf32>, vector<1x1024xf32>, vector<1x1024xf32>, vector<1x1024xf32>, vector<1x1024xf32>, vector<1x1024xf32>, vector<1x1024xf32>, vector<1x1024xf32>, vector<1x1024xf32>, vector<1x1024xf32>, vector<1x1024xf32>, vector<1x1024xf32>, vector<1x1024xf32>, vector<1x1024xf32>, vector<1x1024xf32>, vector<1x1024xf32>, vector<1x1024xf32>, vector<1x1024xf32> -> vector<19x1024xf32>
    %concatenate3A_58 = tpu.concatenate %slice3A_3, %slice3A_5, %slice3A_8, %slice3A_11, %slice3A_14, %slice3A_17, %slice3A_20, %slice3A_23, %slice3A_26, %slice3A_29, %slice3A_32, %slice3A_35, %slice3A_38, %slice3A_41, %slice3A_44, %slice3A_47, %slice3A_50, %slice3A_53, %slice3A_56 in 0 : vector<1x1024xf32>, vector<1x1024xf32>, vector<1x1024xf32>, vector<1x1024xf32>, vector<1x1024xf32>, vector<1x1024xf32>, vector<1x1024xf32>, vector<1x1024xf32>, vector<1x1024xf32>, vector<1x1024xf32>, vector<1x1024xf32>, vector<1x1024xf32>, vector<1x1024xf32>, vector<1x1024xf32>, vector<1x1024xf32>, vector<1x1024xf32>, vector<1x1024xf32>, vector<1x1024xf32>, vector<1x1024xf32> -> vector<19x1024xf32>
    %iota3A = tpu.iota {dimensions = array<i32: 0>} : vector<1024x1024xi32>
    %iota3A_59 = tpu.iota {dimensions = array<i32: 1>} : vector<1024x1024xi32>
    %le3A = arith.cmpi sle, %iota3A, %iota3A_59 : vector<1024x1024xi32>
    %convert_element_type3A = arith.extui %le3A : vector<1024x1024xi1> to vector<1024x1024xi32>
    %convert_element_type3A_60 = arith.sitofp %convert_element_type3A : vector<1024x1024xi32> to vector<1024x1024xf32>
    %dot_general3A = arith.constant dense<0.000000e+00> : vector<19x1024xf32>
    %dot_general3A_61 = tpu.matmul %concatenate3A, %convert_element_type3A_60, %dot_general3A {dimension_numbers = #tpu.dot_dimension_numbers<[1], [0], [0], [1], [0, 0, 1, 1], [], []>, transpose_lhs_hint = false} : vector<19x1024xf32>, vector<1024x1024xf32>, vector<19x1024xf32> -> vector<19x1024xf32>
    %dot_general3A_62 = arith.constant dense<0.000000e+00> : vector<19x1024xf32>
    %dot_general3A_63 = tpu.matmul %concatenate3A_58, %convert_element_type3A_60, %dot_general3A_62 {dimension_numbers = #tpu.dot_dimension_numbers<[1], [0], [0], [1], [0, 0, 1, 1], [], []>, transpose_lhs_hint = false} : vector<19x1024xf32>, vector<1024x1024xf32>, vector<19x1024xf32> -> vector<19x1024xf32>
    %slice3A_64 = vector.extract_strided_slice %dot_general3A_61 {offsets = [0, 1023], sizes = [19, 1], strides = [1, 1]} : vector<19x1024xf32> to vector<19x1xf32>
    %slice3A_65 = vector.extract_strided_slice %dot_general3A_63 {offsets = [0, 1023], sizes = [19, 1], strides = [1, 1]} : vector<19x1024xf32> to vector<19x1xf32>
    %sub3A = vector.broadcast %slice3A_64 : vector<19x1xf32> to vector<19x1024xf32>
    %sub3A_66 = arith.subf %sub3A, %dot_general3A_61 : vector<19x1024xf32>
    %add3A_67 = arith.addf %sub3A_66, %concatenate3A : vector<19x1024xf32>
    %sub3A_68 = vector.broadcast %slice3A_65 : vector<19x1xf32> to vector<19x1024xf32>
    %sub3A_69 = arith.subf %sub3A_68, %dot_general3A_63 : vector<19x1024xf32>
    %add3A_70 = arith.addf %sub3A_69, %concatenate3A_58 : vector<19x1024xf32>
    %sub3A_71 = vector.broadcast %slice3A_65 : vector<19x1xf32> to vector<19x1024xf32>
    %sub3A_72 = arith.subf %sub3A_71, %sub3A_69 : vector<19x1024xf32>
    %add3A_73 = vector.broadcast %slice3A_65 : vector<19x1xf32> to vector<19x1024xf32>
    %add3A_74 = arith.addf %add3A_73, %sub3A_66 : vector<19x1024xf32>
    %sub3A_75 = arith.subf %add3A_74, %sub3A_69 : vector<19x1024xf32>
    %max3A = arith.constant 1.000000e+00 : f32
    %max3A_76 = vector.broadcast %max3A : f32 to vector<19x1024xf32>
    %max3A_77 = arith.maximumf %sub3A_75, %max3A_76 : vector<19x1024xf32>
    %div3A = arith.divf %sub3A_72, %max3A_77 : vector<19x1024xf32>
    %sub3A_78 = arith.constant 1.000000e+00 : f32
    %sub3A_79 = vector.broadcast %sub3A_78 : f32 to vector<19x1024xf32>
    %sub3A_80 = arith.subf %sub3A_79, %div3A : vector<19x1024xf32>
    %sub3A_81 = vector.broadcast %slice3A_65 : vector<19x1xf32> to vector<19x1024xf32>
    %sub3A_82 = arith.subf %sub3A_81, %add3A_70 : vector<19x1024xf32>
    %add3A_83 = vector.broadcast %slice3A_65 : vector<19x1xf32> to vector<19x1024xf32>
    %add3A_84 = arith.addf %add3A_83, %add3A_67 : vector<19x1024xf32>
    %sub3A_85 = arith.subf %add3A_84, %add3A_70 : vector<19x1024xf32>
    %max3A_86 = arith.constant 1.000000e+00 : f32
    %max3A_87 = vector.broadcast %max3A_86 : f32 to vector<19x1024xf32>
    %max3A_88 = arith.maximumf %sub3A_85, %max3A_87 : vector<19x1024xf32>
    %div3A_89 = arith.divf %sub3A_82, %max3A_88 : vector<19x1024xf32>
    %sub3A_90 = arith.constant 1.000000e+00 : f32
    %sub3A_91 = vector.broadcast %sub3A_90 : f32 to vector<19x1024xf32>
    %sub3A_92 = arith.subf %sub3A_91, %div3A_89 : vector<19x1024xf32>
    %iota3A_93 = tpu.iota {dimensions = array<i32: 1>} : vector<19x1024xi32>
    %convert_element_type3A_94 = arith.sitofp %iota3A_93 : vector<19x1024xi32> to vector<19x1024xf32>
    %add3A_95 = arith.constant 5.000000e-01 : f32
    %add3A_96 = vector.broadcast %add3A_95 : f32 to vector<19x1024xf32>
    %add3A_97 = arith.addf %convert_element_type3A_94, %add3A_96 : vector<19x1024xf32>
    %mul3A = arith.constant 9.765625E-4 : f32
    %mul3A_98 = vector.broadcast %mul3A : f32 to vector<19x1024xf32>
    %mul3A_99 = arith.mulf %add3A_97, %mul3A_98 : vector<19x1024xf32>
    %sub3A_100 = arith.subf %sub3A_92, %sub3A_80 : vector<19x1024xf32>
    %mul3A_101 = arith.mulf %mul3A_99, %sub3A_100 : vector<19x1024xf32>
    %reduce_sum3A_102 = arith.constant dense<0.000000e+00> : vector<19xf32>
    %reduce_sum3A_103 = vector.multi_reduction <add>, %mul3A_101, %reduce_sum3A_102 [1] : vector<19x1024xf32> to vector<19xf32>
    %broadcast_in_dim3A_104 = vector.shape_cast %reduce_sum3A_103 : vector<19xf32> to vector<19x1xf32>
    %gt3A = arith.constant 0.000000e+00 : f32
    %gt3A_105 = vector.broadcast %gt3A : f32 to vector<19x1xf32>
    %gt3A_106 = arith.cmpf ogt, %slice3A_65, %gt3A_105 : vector<19x1xf32>
    %convert_element_type3A_107 = arith.extui %gt3A_106 : vector<19x1xi1> to vector<19x1xi32>
    %convert_element_type3A_108 = arith.sitofp %convert_element_type3A_107 : vector<19x1xi32> to vector<19x1xf32>
    %mul3A_109 = arith.mulf %broadcast_in_dim3A_104, %convert_element_type3A_108 : vector<19x1xf32>
    %reduce_sum3A_110 = vector.shape_cast %mul3A_109 : vector<19x1xf32> to vector<1x19x1xf32>
    %reduce_sum3A_111 = arith.constant dense<0.000000e+00> : vector<1xf32>
    %reduce_sum3A_112 = vector.multi_reduction <add>, %reduce_sum3A_110, %reduce_sum3A_111 [1, 2] : vector<1x19x1xf32> to vector<1xf32>
    %reduce_sum3A_113 = vector.shape_cast %reduce_sum3A_112 : vector<1xf32> to vector<1x1x1xf32>
    %reduce_sum3A_114 = vector.extract %reduce_sum3A_113[0, 0, 0] : f32 from vector<1x1x1xf32>
    %reduce_sum3A_115 = vector.shape_cast %convert_element_type3A_108 : vector<19x1xf32> to vector<1x19x1xf32>
    %reduce_sum3A_116 = arith.constant dense<0.000000e+00> : vector<1xf32>
    %reduce_sum3A_117 = vector.multi_reduction <add>, %reduce_sum3A_115, %reduce_sum3A_116 [1, 2] : vector<1x19x1xf32> to vector<1xf32>
    %reduce_sum3A_118 = vector.shape_cast %reduce_sum3A_117 : vector<1xf32> to vector<1x1x1xf32>
    %reduce_sum3A_119 = vector.extract %reduce_sum3A_118[0, 0, 0] : f32 from vector<1x1x1xf32>
    %max3A_120 = arith.constant 1.000000e+00 : f32
    %max3A_121 = arith.maximumf %reduce_sum3A_119, %max3A_120 : f32
    %div3A_122 = arith.divf %reduce_sum3A_114, %max3A_121 : f32
    %broadcast_in_dim3A_123 = vector.broadcast %div3A_122 : f32 to vector<1x1xf32>
    %swap3A = arith.constant 0 : index
    %swap3A_124 = arith.constant 0 : index
    %swap3A_125 = vector.load %arg1[%swap3A, %swap3A_124] : memref<1x1xf32, #tpu.memory_space<vmem>>, vector<1x1xf32>
    tpu.vector_store %arg1[%swap3A, %swap3A_124], %broadcast_in_dim3A_123 {strides = array<i32>} : memref<1x1xf32, #tpu.memory_space<vmem>>, vector<1x1xf32>,
    return
  }
}

</mosaic_0001>

<sc_bundles>
// kernel: kernel.4.cloned.1.call-start
scs
__scs_entry_jumppad:
0x0: {  	(pc) =	sbr.rel $0x88, $3  }
0x1: {  	(tag) =	ssettag $0x0;
	lr =	simm.s32 $0x1  }
0x2: {  	[smem:$0x3F9F] =	sst lr;
	_ =	strace $0xD0000000  }
0x3: {  	_ = 	snop  }
0x4: {  	_ = 	snop  }
0x5: {  	_ = 	snop  }
0x6: {  	_ = 	snop  }
0x7: {  	_ = 	snop  }
__scs_overlays_trampoline_lowered:
0x8: {  	[smem:$0x3FAE] =	sst s0  }
0x9: {  	[smem:$0x3FAF] =	sst s1  }
0xa: {  	[smem:$0x3FB0] =	sst s2  }
0xb: {  	[smem:$0x3FB1] =	sst s3  }
0xc: {  	[smem:$0x3FB2] =	sst s4  }
0xd: {  	[smem:$0x3FB3] =	sst s5  }
0xe: {  	[smem:$0x3FB4] =	sst s6  }
0xf: {  	[smem:$0x3FB5] =	sst s7  }
0x10: {  	[smem:$0x3FB6] =	sst s8  }
0x11: {  	[smem:$0x3FB7] =	sst s9;
	s0 =	simm.s32 @!p0 $0x0  }
0x12: {  	s1 =	sld [smem:$0x3F9D];
	s0 =	simm.s32 @p0 $0x1  }
0x13: {  	[smem:$0x3FB8] =	sst s0;
	s0 =	simm.s32 @!p1 $0x0  }
0x14: {  	s2 =	sld [smem:$0x3F9C];
	s0 =	simm.s32 @p1 $0x1  }
0x15: {  	[smem:$0x3FB9] =	sst s0;
	s0 =	simm.s32 @!p2 $0x0  }
0x16: {  	s3 =	sld [smem:$0x3FDB];
	s0 =	simm.s32 @p2 $0x1  }
0x17: {  	s4 =	simm.s32 $0x1BF5;
	[smem:$0x3FBB] =	sst s0  }
0x18: {  	s0 =	sld [smem:$0x3F9E];
	_ =	swait.ge [sflag:s4], $0x0  }
0x19: {  	s7 =	sld [smem:$0x3F9F]  }
0x1a: {  	s8 =	sadd.s32 $0xFFFFE003, lr  }
0x1b: {  	s9 =	sadd.s32 $0xFFFFFEF7, lr;
	s5 =	simm.s32 $0xFFFFFFFF;
	p2 =	slt.u32 s8, $0xFFFFF086  }
0x1c: {  	p1 =	slt.u32 s9, $0xF7A;
	s5 =	simm.s32 @!p2 $0x0  }
0x1d: {  	s5 =	simm.s32 @p1 $0x1;
	p0 =	seq.s32 s7, s2  }
0x1e: {  	s7 =	smul.u32 @!p0 $0xF7A, s2;
	p2 =	seq.s32 @!p0 s5, $0x0  }
0x1f: {  	s9 =	smul.u32 $0xF7A, s1;
	s8 =	simm.s32 @!p0 $0x1BF5;
	p2 =	por !p2, p0  }
0x20: {  	[sflag:s8] =	ssyncset.s32 @!p0 $0xFFFFF086;
	s6 =	sadd.s32 @!p0 s3, s7;
	s7 =	simm.s32 @!p0 $0x108  }
0x21: {  	s3 =	sadd.s32 s3, s9;
	s6 =	sadd.s32 @!p0 $0x88, s6;
	s7 =	simm.s32 @p2 $0x1082  }
0x22: {  	[simem:s7], [sflag:s8] =	dma.local @!p0 [hbm:s6], $0xF7A  }
0x23: {  	s9 =	sor.u32 $0xD0000000, s2;
	s6 =	simm.s32 $0x108;
	_ =	swait.ge @!p0 [sflag:s8], $0x0  }
0x24: {  	s3 =	sadd.s32 $0x88, s3;
	s6 =	simm.s32 @!p1 $0x1082;
	[sflag:s4] =	ssyncset.s32 $0xFFFFF086  }
0x25: {  	[simem:s6], [sflag:s4] =	dma.local [hbm:s3], $0xF7A  }
0x26: {  	[smem:$0x3F9F] =	sst s1;
	(tag) =	ssettag s2;
	_ =	strace s9  }
0x27: {  	s1 =	sld [smem:$0x3FAF]  }
0x28: {  	s2 =	sld [smem:$0x3FB0]  }
0x29: {  	s4 =	sld [smem:$0x3FB2]  }
0x2a: {  	p0 =	seq.s32 s5, $0x0;
	s5 =	sld [smem:$0x3FB3]  }
0x2b: {  	s6 =	sld [smem:$0x3FB4]  }
0x2c: {  	s7 =	sld [smem:$0x3FB5]  }
0x2d: {  	s3 =	simm.s32 $0x108;
	s8 =	sld [smem:$0x3FB6]  }
0x2e: {  	s3 =	simm.s32 @!p0 $0x1082;
	s9 =	sld [smem:$0x3FB7]  }
0x2f: {  	lr =	sadd.s32 s0, s3;
	s0 =	sld [smem:$0x3FAE]  }
0x30: {  	s3 =	sld [smem:$0x3FB1]  }
0x31: {  	[smem:$0x3FBA] =	sst s10  }
0x32: {  	s10 =	sld [smem:$0x3FB8];
	_ =	sdelay $0x3  }
0x33: {  	p0 =	seq.s32 s10, $0x1;
	s10 =	sld [smem:$0x3FBA];
	_ =	sdelay $0x3  }
0x34: {  	[smem:$0x3FBA] =	sst s10  }
0x35: {  	s10 =	sld [smem:$0x3FB9];
	_ =	sdelay $0x3  }
0x36: {  	p1 =	seq.s32 s10, $0x1;
	s10 =	sld [smem:$0x3FBA];
	_ =	sdelay $0x3  }
0x37: {  	[smem:$0x3FBA] =	sst s10  }
0x38: {  	s10 =	sld [smem:$0x3FBB]  }
0x39: {  	_ = 	snop;
	(pc) =	sbr.ind lr, $3  }
0x3a: {  	_ = 	snop  }
0x3b: {  	_ = 	snop  }
0x3c: {  	p2 =	seq.s32 s10, $0x1;
	s10 =	sld [smem:$0x3FBA]  }
0x3d: {  	_ =	shalt  }
0x3e: {  	_ =	shalt  }
0x3f: {  	_ =	shalt  }
0x40: {  	_ =	shalt  }
0x41: {  	_ =	shalt  }
0x42: {  	_ =	shalt  }
0x43: {  	_ =	shalt  }
0x44: {  	_ =	shalt  }
0x45: {  	_ =	shalt  }
0x46: {  	_ =	shalt  }
0x47: {  	_ =	shalt  }
0x48: {  	_ =	shalt  }
0x49: {  	_ =	shalt  }
0x4a: {  	_ =	shalt  }
0x4b: {  	_ =	shalt  }
0x4c: {  	_ =	shalt  }
0x4d: {  	_ =	shalt  }
0x4e: {  	_ =	shalt  }
0x4f: {  	_ =	shalt  }
0x50: {  	_ =	shalt  }
0x51: {  	_ =	shalt  }
0x52: {  	_ =	shalt  }
0x53: {  	_ =	shalt  }
0x54: {  	_ =	shalt  }
0x55: {  	_ =	shalt  }
0x56: {  	_ =	shalt  }
0x57: {  	_ =	shalt  }
0x58: {  	_ =	shalt  }
0x59: {  	_ =	shalt  }
0x5a: {  	_ =	shalt  }
0x5b: {  	_ =	shalt  }
0x5c: {  	_ =	shalt  }
0x5d: {  	_ =	shalt  }
0x5e: {  	_ =	shalt  }
0x5f: {  	_ =	shalt  }
0x60: {  	_ =	shalt  }
0x61: {  	_ =	shalt  }
0x62: {  	_ =	shalt  }
0x63: {  	_ =	shalt  }
0x64: {  	_ =	shalt  }
0x65: {  	_ =	shalt  }
0x66: {  	_ =	shalt  }
0x67: {  	_ =	shalt  }
0x68: {  	_ =	shalt  }
0x69: {  	_ =	shalt  }
0x6a: {  	_ =	shalt  }
0x6b: {  	_ =	shalt  }
0x6c: {  	_ =	shalt  }
0x6d: {  	_ =	shalt  }
0x6e: {  	_ =	shalt  }
0x6f: {  	_ =	shalt  }
0x70: {  	_ =	shalt  }
0x71: {  	_ =	shalt  }
0x72: {  	_ =	shalt  }
0x73: {  	_ =	shalt  }
0x74: {  	_ =	shalt  }
0x75: {  	_ =	shalt  }
0x76: {  	_ =	shalt  }
0x77: {  	_ =	shalt  }
0x78: {  	_ =	shalt  }
0x79: {  	_ =	shalt  }
0x7a: {  	_ =	shalt  }
0x7b: {  	_ =	shalt  }
0x7c: {  	_ =	shalt  }
0x7d: {  	_ =	shalt  }
0x7e: {  	_ =	shalt  }
0x7f: {  	_ =	shalt  }
0x80: {  	_ =	shalt  }
0x81: {  	_ =	shalt  }
0x82: {  	_ =	shalt  }
0x83: {  	_ =	shalt  }
0x84: {  	_ =	shalt  }
0x85: {  	_ =	shalt  }
0x86: {  	_ =	shalt  }
0x87: {  	_ =	shalt  }
.Lfunc_end0:
.L_simem_size_0:
called_computation_lowered:
.L_overlay_start_0:
0x88: {  	s2 =	sld [smem:$0x3FD9]  }
0x89: {  	s3 =	sld [smem:$0x3FFE];
	_ =	sdelay $0x1  }
0x8a: {  	s1 =	srdreg.scid  }
0x8b: {  	s0 =	sand.u32 $0x1, s1  }
0x8c: {  	s17 =	sshll.u32 s0, $0xA;
	s2 =	sadd.s32 s3, s2  }
0x8d: {  	s2 =	sadd.s32 s2, s17  }
0x8e: {  	[smem:$0x3FC6] =	sst s2  }
0x8f: {  	_ = 	snop  }
0x90: {  	s2 =	sld [smem:$0x3FC9]  }
0x91: {  	s18 =	sld [smem:$0x3FC8]  }
0x92: {  	s4 =	sld [smem:$0x3FD0];
	(tm) =	ssettm $0x1  }
0x93: {  	s5 =	sld [smem:$0x3FFB];
	_ =	sdelay $0x3  }
0x94: {  	_ =	strace s5  }
0x95: {  	s5 =	sld [smem:$0x3FFC];
	_ =	sdelay $0x3  }
0x96: {  	_ =	strace s5  }
0x97: {  	s5 =	sld [smem:$0x3FFD];
	_ =	sdelay $0x3  }
0x98: {  	_ =	strace s5  }
0x99: {  	_ =	strace $0x8FFFFFFF  }
0x9a: {  	s19 =	sld [smem:$0x3FDB];
	_ =	sdelay $0x1  }
0x9b: {  	s6 =	simm.s32 $_scs_section_size  }
0x9c: {  	s7 =	simm.s32 $_size__tile_overlayer_lowered;
	s8 =	simm.s32 $_tile_overlayer_lowered  }
0x9d: {  	s22 =	simm.s32 $0x1BFF;
	s21 =	sshll.u32 s8, $0x1;
	s5 =	sadd.s32 s6, s19  }
0x9e: {  	s9 =	simm.s32 $0x0;
	s20 =	sshll.u32 s7, $0x1;
	s7 =	sadd.s32 s21, s5  }
0x9f: {  	[timem:s9], [sflag:s22] =	dma.local [hbm:s7], s20  }
0xa0: {  	_ =	swait.ge [sflag:s22], s20  }
0xa1: {  	s6 =	ssub.s32 $0x0, s20;
	[sflag:s22] =	ssyncset.done $0x0  }
0xa2: {  	[sflag:s22] =	ssyncadd.s32 s6;
	_ =	sdelay $0x1  }
0xa3: {  	s23 =	simm.s32 $0x1B8B  }
0xa4: {  	_ =	swait.ge [sflag:s23], $0x1  }
0xa5: {  	[sflag:s23] =	ssyncset.done $0x0  }
0xa6: {  	s25 =	simm.s32 $0x1B8E;
	s24 =	sld [smem:$0x3FFE];
	[sflag:s23] =	ssyncadd.s32 $0xFFFFFFFF  }
0xa7: {  	s26 =	simm.s32 $execute0_lowered;
	[smem:$0x3FD2] =	sst s25  }
0xa8: {  	s7 =	sshll.u32 s26, $0x1;
	_ =	strace $0x80000046;
	[dreg:$0x1] =	wrdreg $0xFFFFFFFF  }
0xa9: {  	s28 =	simm.s32 $_size_execute0_lowered;
	s5 =	sadd.s32 s5, s7;
	[dreg:$0x0] =	wrdreg $0x0  }
0xaa: {  	s7 =	sshll.u32 s28, $0x1;
	[dreg:$0x2] =	wrdreg s5  }
0xab: {  	[dreg:$0x3] =	wrdreg s7  }
0xac: {  	[dreg:$0x4] =	wrdreg $0xC0  }
0xad: {  	_ =	task [dreg:s9], $0x5FFFF  }
0xae: {  	[dreg:$0x1] =	wrdreg $0xFFFFFFFF  }
0xaf: {  	[dreg:$0x0] =	wrdreg $0x60  }
0xb0: {  	[dreg:$0x2] =	wrdreg s2  }
0xb1: {  	[dreg:$0x3] =	wrdreg s18  }
0xb2: {  	[dreg:$0x4] =	wrdreg s4  }
0xb3: {  	[dreg:$0x5] =	wrdreg s24  }
0xb4: {  	[dreg:$0x6] =	wrdreg $0x9  }
0xb5: {  	_ =	task.clear_ibuf [dreg:s9], $0x7FFFF;
	_ =	strace $0x90000046  }
0xb6: {  	s29 =	simm.s32 $0x9;
	_ =	strace $0x80000048  }
0xb7: {  	_ =	swait.ge [sflag:s29], $0x1  }
0xb8: {  	[sflag:s29] =	ssyncadd.s32 $0xFFFFFFFF  }
0xb9: {  	_ =	strace $0x90000048  }
0xba: {  	_ =	sfence  }
0xbb: {  	s30 =	sld [smem:$0x0];
	_ =	sdelay $0x2  }
0xbc: {  	s31 =	sshll.u32 s1, $0xD;
	s1 =	sshrl.u32 s1, $0x2  }
0xbd: {  	s3 =	sand.u32 $0x4000, s31;
	s1 =	sadd.s32 s1, s30  }
0xbe: {  	s0 =	sor.u32 s3, s0;
	s1 =	sshll.u32 s1, $0x11  }
0xbf: {  	s0 =	sor.u32 s1, s0  }
0xc0: {  	s0 =	sadd.s32 $0x8F2B, s0  }
0xc1: {  	[sflag:s0] =	ssyncadd.remote.s32 $0x1  }
0xc2: {  	_ =	sfence.sel $0xFFFF  }
0xc3: {  	[dreg:$0x0] =	wrdreg $0xFFFFFFFF;
	(pc) =	sbr.abs _section_cstart, $3  }
0xc4: {  	[dreg:$0x1] =	wrdreg $0xFFFFFFFF  }
0xc5: {  	_ =	task.clear_ibuf [dreg:s9], $0x2FFFF;
	_ =	strace $0x9FFFFFFF  }
0xc6: {  	(tm) =	ssettm $0x7FFFFFFF  }
0xc7: {  	_ =	shalt  }
tec
execute0_lowered:
.L_overlay_start_1:
0x0: {  	(tag) =	ssettag $0x1  }
0x1: {  	s1 =	rddreg [dreg:$0x0]  }
0x2: {  	s0 =	srdreg.scid;
	s2 =	rddreg [dreg:$0x1]  }
0x3: {  	s9 =	stileid.u32;
	s4 =	rddreg [dreg:$0x3];
	s7 =	simm.s32 $0x0  }
0x4: {  	s28 =	simm.s32 $0xE000;
	s29 =	simm.s32 $0x1;
	s30 =	simm.s32 $0x5  }
0x5: {  	s31 =	simm.s32 $0x2;
	s17 =	simm.s32 $0x4;
	s0 =	sand.u32 $0x1, s0  }
0x6: {  	s3 =	sshll.u32 s9, $0x1;
	s18 =	sshrl.u32 s9, $0x2;
	[smem:$0x7FF] =	sst s7  }
0x7: {  	s26 =	sshll.u32 s9, $0x13;
	s5 =	sor.u32 s0, s3;
	s3 =	smul.u32 $0x4C000, s18  }
0x8: {  	_ =	strace $0x80000047;
	s19 =	ssub.s32 $0x2, s0;
	s0 =	sshll.u32 s0, $0x12  }
0x9: {  	s18 =	simm.s32 $0x9;
	s6 =	sshll.u32 s5, $0x7;
	s20 =	sshrl.u32 s19, $0x1  }
0xa: {  	s21 =	sshll.u32 s5, $0xF;
	s15 =	sor.u32 s0, s26;
	s26 =	simm.s32 $0x6000  }
0xb: {  	s0 =	simm.s32 $0x3;
	s6 =	sand.u32 $0x380, s6;
	s22 =	sadd.s32 s1, s21  }
0xc: {  	s23 =	sor.u32 $0x2000, s21;
	s8 =	sadd.s32 s2, s21;
	s25 =	sor.u32 $0x4000, s21  }
0xd: {  	s13 =	sor.u32 $0x6000, s21;
	s21 =	simm.s32 $0x8;
	[dreg:$0x5] =	wrdreg s22  }
0xe: {  	s3 =	sor.u32 s3, s6;
	[dreg:$0x6] =	wrdreg s8;
	s24 =	sadd.s32 s1, s23  }
0xf: {  	s6 =	sadd.s32 s2, s23;
	s11 =	sadd.s32 s1, s25;
	s12 =	sadd.s32 s2, s25  }
0x10: {  	s23 =	simm.s32 $0x0;
	s3 =	sshrl.u32 s3, $0x3;
	[dreg:$0x7] =	wrdreg s24  }
0x11: {  	[dreg:$0x8] =	wrdreg s6;
	s3 =	sadd.s32 s3, s4;
	s4 =	ssub.s32 s19, s20  }
0x12: {  	s19 =	simm.s32 $0x80;
	s20 =	simm.s32 $0x400;
	s14 =	sadd.s32 $0x600, s3  }
0x13: {  	v0 =	vimm.f32 $0.0e+00;
	v1 =	vimm.f32 $1.000000000e+00;
	s16 =	smax.u32 s4, $0x1;
	s3 =	simm.s32 $0x6;
	s4 =	simm.s32 $0x7  }
.LBB2_1:
0x14: {  	s6 =	rddreg [dreg:$0x2];
	s7 =	simm.s32 $0x0;
	s8 =	simm.s32 $0x19800  }
0x15: {  	[tilespmem:s8], [sflag:$0x9] =	stream.linear.gather [hbm4b:s6+s7], $0x1, $0x38;
	[tilespmem:$0x19880] =	vst v63  }
0x16: {  	_ =	swait.ge [sflag:s18], $0x1  }
0x17: {  	[sflag:s18] =	ssyncset.done $0x0  }
0x18: {  	[sflag:s18] =	ssyncadd.s32 $0xFFFFFFFF  }
0x19: {  	s6 =	simm.s32 $0x40;
	s7 =	simm.s32 $0x0;
	v2 =	vld [tilespmem:$0x19800]  }
.LBB2_2:
0x1a: {  	p0 =	sne.s32 s6, $0x25FC0;
	[tilespmem:s7+$0x10000] =	vst v0;
	s7 =	smov.u32 s6;
	s6 =	sadd.s32 $0x40, s6  }
.Ltmp0:
0x1b: {  	(pc) =	sbr.rel @p0 .LBB2_2-.Ltmp0, $2  }
0x1c: {  	_ =	sdelay $0x2  }
0x1d: {  	s7 =	sshra.s32 s7, $0x2  }
0x1e: {  	[tilespmem:s7+$0x10000] =	vst v0  }
0x1f: {  	s24 =	simm.s32 $0x0;
	s6 =	rddreg [dreg:$0x5]  }
0x20: {  	[tilespmem:s24], [sflag:$0x1] =	stream.strided.gather [hbm4b:s6+s19], $0x2000, s20, s19, $0x38;
	[tilespmem:$0x19880] =	vst v63  }
0x21: {  	s25 =	simm.s32 $0x8000;
	s22 =	rddreg [dreg:$0x6]  }
0x22: {  	[tilespmem:s25], [sflag:$0x5] =	stream.strided.gather [hbm4b:s22+s19], $0x2000, s20, s19, $0x38;
	[tilespmem:$0x19880] =	vst v63  }
0x23: {  	s8 =	simm.s32 $0x2000;
	s7 =	rddreg [dreg:$0x7]  }
0x24: {  	[tilespmem:s8], [sflag:$0x2] =	stream.strided.gather [hbm4b:s7+s19], $0x2000, s20, s19, $0x38;
	[tilespmem:$0x19880] =	vst v63  }
0x25: {  	s10 =	simm.s32 $0xA000;
	s9 =	rddreg [dreg:$0x8]  }
0x26: {  	[tilespmem:s10], [sflag:$0x6] =	stream.strided.gather [hbm4b:s9+s19], $0x2000, s20, s19, $0x38;
	[tilespmem:$0x19880] =	vst v63  }
0x27: {  	s22 =	simm.s32 $0x4000  }
0x28: {  	[tilespmem:s22], [sflag:$0x3] =	stream.strided.gather [hbm4b:s11+s19], $0x2000, s20, s19, $0x38;
	[tilespmem:$0x19880] =	vst v63  }
0x29: {  	s25 =	simm.s32 $0xC000  }
0x2a: {  	v2 =	vbroadcast v2, $0x0;
	[tilespmem:s25], [sflag:$0x7] =	stream.strided.gather [hbm4b:s12+s19], $0x2000, s20, s19, $0x38;
	[tilespmem:$0x19880] =	vst v63  }
.LBB2_4:
0x2b: {  	s6 =	sshll.u32 s24, $0x11  }
0x2c: {  	s7 =	sshll.u32 s24, $0x4;
	s6 =	sand.u32 $0x300000, s6  }
0x2d: {  	s7 =	sand.u32 $0x70, s7;
	s6 =	sor.u32 s13, s6  }
0x2e: {  	s6 =	sor.u32 s7, s6  }
0x2f: {  	s22 =	simm.s32 $0x80;
	s7 =	sadd.s32 s1, s6  }
0x30: {  	[tilespmem:s26], [sflag:$0x4] =	stream.strided.gather [hbm4b:s7+s22], $0x2000, s20, s22, $0x38;
	[tilespmem:$0x19880] =	vst v63  }
0x31: {  	s6 =	sadd.s32 s2, s6  }
0x32: {  	[tilespmem:s28], [sflag:$0x8] =	stream.strided.gather [hbm4b:s6+s22], $0x2000, s20, s22, $0x38;
	[tilespmem:$0x19880] =	vst v63  }
0x33: {  	_ =	swait.ge [sflag:s29], $0x2000  }
0x34: {  	[sflag:s29] =	ssyncset.done $0x0  }
0x35: {  	[sflag:s29] =	ssyncadd.s32 $0xFFFFE000  }
0x36: {  	_ =	swait.ge [sflag:s30], $0x2000  }
0x37: {  	[sflag:s30] =	ssyncset.done $0x0  }
0x38: {  	s10 =	simm.s32 $0x8080;
	[sflag:s30] =	ssyncadd.s32 $0xFFFFE000  }
0x39: {  	v3 =	vld [tilespmem:s10+$0x70]  }
0x3a: {  	v4 =	vld [tilespmem:s10+$0xFFFFFF80]  }
0x3b: {  	v5 =	vld [tilespmem:s22+$0x70]  }
0x3c: {  	v6 =	vld [tilespmem:s10+$0xFFFFFF90]  }
0x3d: {  	v7 =	vld [tilespmem:s10+$0xFFFFFFA0]  }
0x3e: {  	v8 =	vld [tilespmem:s10+$0xFFFFFFB0]  }
0x3f: {  	v9 =	vld [tilespmem:s10+$0xFFFFFFC0]  }
0x40: {  	v10 =	vld [tilespmem:s10+$0xFFFFFFD0]  }
0x41: {  	v11 =	vld [tilespmem:s10+$0xFFFFFFE0]  }
0x42: {  	v12 =	vld [tilespmem:s10+$0xFFFFFFF0]  }
0x43: {  	v13 =	vld [tilespmem:s10+$0x0]  }
0x44: {  	v14 =	vld [tilespmem:s10+$0x10]  }
0x45: {  	v15 =	vld [tilespmem:s10+$0x20]  }
0x46: {  	v16 =	vld [tilespmem:s10+$0x30]  }
0x47: {  	v17 =	vld [tilespmem:s10+$0x40];
	v3 =	vcvt.s32.f32 v3  }
0x48: {  	v19 =	vld [tilespmem:s22+$0xFFFFFF90]  }
0x49: {  	v20 =	vld [tilespmem:s22+$0xFFFFFFA0];
	v5 =	vsub.f32 v3, v5  }
0x4a: {  	v21 =	vld [tilespmem:s22+$0xFFFFFFB0];
	v4 =	vcvt.s32.f32 v4;
	v6 =	vcvt.s32.f32 v6  }
0x4b: {  	v22 =	vld [tilespmem:s22+$0xFFFFFFC0];
	v7 =	vcvt.s32.f32 v7;
	v8 =	vcvt.s32.f32 v8;
	v5 =	vand.u32 $0x7FFFFFFF, v5  }
0x4c: {  	v18 =	vld [tilespmem:s10+$0x60];
	v9 =	vcvt.s32.f32 v9;
	v10 =	vcvt.s32.f32 v10;
	v3 =	vadd.f32 v3, v5  }
0x4d: {  	v24 =	vld [tilespmem:s22+$0xFFFFFFE0];
	v11 =	vcvt.s32.f32 v11;
	v12 =	vcvt.s32.f32 v12  }
0x4e: {  	v52 =	vld [tilespmem:s22+$0x0];
	v13 =	vcvt.s32.f32 v13;
	v19 =	vsub.f32 v6, v19;
	v3 =	vmul.f32 v3, v2  }
0x4f: {  	v56 =	vld [tilespmem:s22+$0x40];
	v17 =	vcvt.s32.f32 v17;
	v20 =	vsub.f32 v7, v20;
	v21 =	vsub.f32 v8, v21  }
0x50: {  	v58 =	vld [tilespmem:s22+$0x60];
	v51 =	vsub.f32 v9, v22;
	v19 =	vand.u32 $0x7FFFFFFF, v19;
	v3 =	vmin.f32 v3, $2.047000000e+03  }
0x51: {  	v54 =	vld [tilespmem:s22+$0x20];
	v6 =	vadd.f32 v6, v19;
	v19 =	vand.u32 $0x7FFFFFFF, v20;
	v3 =	vtrunc.f32 v3  }
0x52: {  	v7 =	vadd.f32 v7, v19;
	v19 =	vand.u32 $0x7FFFFFFF, v21;
	v23 =	vcvt.f32.s32 v3;
	v3 =	vld [tilespmem:s22+$0xFFFFFFD0]  }
0x53: {  	v53 =	vld [tilespmem:s22+$0x10];
	v18 =	vcvt.s32.f32 v18;
	v8 =	vadd.f32 v8, v19;
	v19 =	vand.u32 $0x7FFFFFFF, v51  }
0x54: {  	v14 =	vcvt.s32.f32 v14;
	v5 =	vld [tilespmem:s10+$0x50];
	v9 =	vadd.f32 v9, v19;
	v19 =	vsub.f32 v11, v24  }
0x55: {  	v25 =	vld [tilespmem:s22+$0xFFFFFFF0];
	v15 =	vcvt.s32.f32 v15;
	v59 =	vsub.f32 v17, v56;
	v60 =	vsub.f32 v18, v58  }
0x56: {  	v55 =	vld [tilespmem:s22+$0x30];
	v26 =	vmul.f32 v8, v2;
	v8 =	vand.u32 $0x7FFFFFFF, v19;
	v19 =	vsub.f32 v13, v52  }
0x57: {  	v16 =	vcvt.s32.f32 v16;
	v20 =	vsub.f32 v15, v54;
	v3 =	vsub.f32 v10, v3  }
0x58: {  	v57 =	vld [tilespmem:s22+$0x50];
	v8 =	vadd.f32 v11, v8;
	v11 =	vsub.f32 v14, v53;
	v19 =	vand.u32 $0x7FFFFFFF, v19  }
0x59: {  	v5 =	vcvt.s32.f32 v5;
	v13 =	vadd.f32 v13, v19;
	v3 =	vand.u32 $0x7FFFFFFF, v3  }
0x5a: {  	v11 =	vand.u32 $0x7FFFFFFF, v11;
	v3 =	vadd.f32 v10, v3;
	v10 =	vsub.f32 v12, v25  }
0x5b: {  	v19 =	vsub.f32 v16, v55;
	v11 =	vadd.f32 v14, v11;
	v14 =	vand.u32 $0x7FFFFFFF, v20  }
0x5c: {  	v6 =	vmul.f32 v6, v2;
	v14 =	vadd.f32 v15, v14;
	v10 =	vand.u32 $0x7FFFFFFF, v10  }
0x5d: {  	v15 =	vand.u32 $0x7FFFFFFF, v19;
	v19 =	vsub.f32 v5, v57;
	v10 =	vadd.f32 v12, v10;
	v12 =	vld [tilespmem:s22+$0xFFFFFF80]  }
0x5e: {  	v7 =	vmul.f32 v7, v2;
	v15 =	vadd.f32 v16, v15;
	v16 =	vand.u32 $0x7FFFFFFF, v59  }
0x5f: {  	v11 =	vmul.f32 v11, v2;
	v16 =	vadd.f32 v17, v16;
	v17 =	vand.u32 $0x7FFFFFFF, v19  }
0x60: {  	v19 =	vmul.f32 v9, v2;
	v9 =	vand.u32 $0x7FFFFFFF, v60;
	v5 =	vadd.f32 v5, v17  }
0x61: {  	v18 =	vadd.f32 v18, v9;
	v9 =	vmin.f32 v26, $2.047000000e+03;
	v61 =	vmul.f32 v15, v2  }
0x62: {  	v62 =	vmul.f32 v16, v2;
	v63 =	vmul.f32 v5, v2;
	v12 =	vsub.f32 v4, v12  }
0x63: {  	v16 =	vmin.f32 v19, $2.047000000e+03;
	v18 =	vmul.f32 v18, v2;
	v17 =	vmul.f32 v3, v2  }
0x64: {  	v3 =	vmin.f32 v6, $2.047000000e+03;
	v6 =	vmul.f32 v13, v2;
	v12 =	vand.u32 $0x7FFFFFFF, v12  }
0x65: {  	v5 =	vmin.f32 v62, $2.047000000e+03;
	v10 =	vmul.f32 v10, v2;
	v4 =	vadd.f32 v4, v12  }
0x66: {  	v15 =	vmin.f32 v17, $2.047000000e+03;
	v12 =	vmul.f32 v8, v2;
	v8 =	vmin.f32 v7, $2.047000000e+03  }
0x67: {  	s25 =	sshll.u32 s24, $0xB;
	v7 =	vmul.f32 v14, v2;
	v14 =	vmin.f32 v10, $2.047000000e+03;
	v4 =	vmul.f32 v4, v2  }
0x68: {  	s6 =	sand.u32 $0x3FFFF800, s25;
	v10 =	vmin.f32 v11, $2.047000000e+03;
	v13 =	vmin.f32 v12, $2.047000000e+03;
	v12 =	vmin.f32 v6, $2.047000000e+03  }
0x69: {  	s25 =	sadd.s32 $0x10000, s6;
	v11 =	vmin.f32 v7, $2.047000000e+03;
	v7 =	vmin.f32 v61, $2.047000000e+03;
	v4 =	vmin.f32 v4, $2.047000000e+03  }
0x6a: {  	s7 =	simm.s32 $0x8180;
	s6 =	simm.s32 $0x0;
	[tilespmem:v23+s25+$0x0] =	vst.idx.add.f32.msk $0xffff, v1;
	v6 =	vmin.f32 v63, $2.047000000e+03;
	v17 =	vtrunc.f32 v4;
	v4 =	vmin.f32 v18, $2.047000000e+03  }
.LBB2_5:
0x6b: {  	v18 =	vld [tilespmem:s7+$0x70];
	s6 =	sadd.s32 $0x10, s6;
	v19 =	vtrunc.f32 v3;
	v8 =	vtrunc.f32 v8  }
0x6c: {  	v9 =	vtrunc.f32 v9;
	v16 =	vtrunc.f32 v16;
	s22 =	sadd.s32 $0x100, s22;
	v3 =	vld [tilespmem:s7+$0xFFFFFF80];
	p0 =	slt.u32 s6, $0x1F0  }
0x6d: {  	v15 =	vtrunc.f32 v15;
	v13 =	vtrunc.f32 v13;
	v20 =	vld [tilespmem:s22+$0x70]  }
0x6e: {  	v14 =	vtrunc.f32 v14;
	v12 =	vtrunc.f32 v12;
	v21 =	vld [tilespmem:s7+$0xFFFFFF90]  }
0x6f: {  	v10 =	vtrunc.f32 v10;
	v11 =	vtrunc.f32 v11;
	v22 =	vld [tilespmem:s7+$0xFFFFFFA0]  }
0x70: {  	v7 =	vtrunc.f32 v7;
	v23 =	vld [tilespmem:s7+$0xFFFFFFB0];
	v18 =	vcvt.s32.f32 v18  }
0x71: {  	v5 =	vtrunc.f32 v5;
	v3 =	vcvt.s32.f32 v3;
	v24 =	vld [tilespmem:s7+$0xFFFFFFC0]  }
0x72: {  	v6 =	vtrunc.f32 v6;
	v4 =	vtrunc.f32 v4;
	v25 =	vld [tilespmem:s7+$0xFFFFFFD0];
	v20 =	vsub.f32 v18, v20  }
0x73: {  	v17 =	vcvt.f32.s32 v17;
	v21 =	vcvt.s32.f32 v21;
	v26 =	vld [tilespmem:s7+$0xFFFFFFE0]  }
0x74: {  	v19 =	vcvt.f32.s32 v19;
	v22 =	vcvt.s32.f32 v22;
	v27 =	vld [tilespmem:s7+$0xFFFFFFF0];
	v20 =	vand.u32 $0x7FFFFFFF, v20  }
0x75: {  	v8 =	vcvt.f32.s32 v8;
	v23 =	vcvt.s32.f32 v23;
	v28 =	vld [tilespmem:s7+$0x0];
	v18 =	vadd.f32 v18, v20  }
0x76: {  	v9 =	vcvt.f32.s32 v9;
	v20 =	vcvt.s32.f32 v24;
	v24 =	vld [tilespmem:s7+$0x10]  }
0x77: {  	v25 =	vcvt.s32.f32 v25;
	v29 =	vld [tilespmem:s7+$0x20];
	v18 =	vmul.f32 v18, v2  }
0x78: {  	v16 =	vcvt.f32.s32 v16;
	v26 =	vcvt.s32.f32 v26;
	v30 =	vld [tilespmem:s7+$0x30]  }
0x79: {  	v15 =	vcvt.f32.s32 v15;
	v27 =	vcvt.s32.f32 v27;
	v31 =	vld [tilespmem:s7+$0x40];
	v18 =	vmin.f32 v18, $2.047000000e+03  }
0x7a: {  	v28 =	vcvt.s32.f32 v28;
	v32 =	vld [tilespmem:s7+$0x50];
	v18 =	vtrunc.f32 v18  }
0x7b: {  	v24 =	vcvt.s32.f32 v24;
	v33 =	vld [tilespmem:s7+$0x60];
	v18 =	vcvt.f32.s32 v18  }
0x7c: {  	v13 =	vcvt.f32.s32 v13;
	v34 =	vld [tilespmem:s22+$0xFFFFFF90];
	v29 =	vcvt.s32.f32 v29  }
0x7d: {  	v14 =	vcvt.f32.s32 v14;
	v35 =	vld [tilespmem:s22+$0xFFFFFFA0];
	v30 =	vcvt.s32.f32 v30  }
0x7e: {  	v12 =	vcvt.f32.s32 v12;
	v36 =	vld [tilespmem:s22+$0xFFFFFFB0];
	v31 =	vcvt.s32.f32 v31  }
0x7f: {  	v10 =	vcvt.f32.s32 v10;
	v37 =	vld [tilespmem:s22+$0xFFFFFFC0];
	v32 =	vcvt.s32.f32 v32  }
0x80: {  	v11 =	vcvt.f32.s32 v11;
	v38 =	vld [tilespmem:s22+$0xFFFFFFD0];
	v33 =	vcvt.s32.f32 v33  }
0x81: {  	v7 =	vcvt.f32.s32 v7;
	v5 =	vcvt.f32.s32 v5;
	v34 =	vsub.f32 v21, v34;
	[tilespmem:v18+s25+$0x0] =	vst.idx.add.f32.msk $0xffff, v1  }
0x82: {  	v6 =	vcvt.f32.s32 v6;
	v39 =	vcvt.f32.s32 v4;
	v18 =	vsub.f32 v22, v35;
	v35 =	vld [tilespmem:s22+$0xFFFFFFE0]  }
0x83: {  	v4 =	vand.u32 $0x7FFFFFFF, v34;
	v34 =	vsub.f32 v23, v36;
	v36 =	vld [tilespmem:s22+$0xFFFFFFF0]  }
0x84: {  	v4 =	vadd.f32 v21, v4;
	v18 =	vand.u32 $0x7FFFFFFF, v18;
	v21 =	vsub.f32 v20, v37;
	v37 =	vld [tilespmem:s22+$0x0]  }
0x85: {  	v18 =	vadd.f32 v22, v18;
	v22 =	vand.u32 $0x7FFFFFFF, v34;
	v34 =	vsub.f32 v25, v38;
	v38 =	vld [tilespmem:s22+$0x10]  }
0x86: {  	v4 =	vmul.f32 v4, v2;
	v22 =	vadd.f32 v23, v22;
	v21 =	vand.u32 $0x7FFFFFFF, v21;
	v23 =	vld [tilespmem:s22+$0x20]  }
0x87: {  	v20 =	vadd.f32 v20, v21;
	v21 =	vand.u32 $0x7FFFFFFF, v34;
	v34 =	vsub.f32 v26, v35;
	v35 =	vld [tilespmem:s22+$0x30]  }
0x88: {  	v18 =	vmul.f32 v18, v2;
	v21 =	vadd.f32 v25, v21;
	v25 =	vsub.f32 v27, v36;
	v36 =	vld [tilespmem:s22+$0x40]  }
0x89: {  	v22 =	vmul.f32 v22, v2;
	v34 =	vand.u32 $0x7FFFFFFF, v34;
	v37 =	vsub.f32 v28, v37;
	v40 =	vld [tilespmem:s22+$0x50]  }
0x8a: {  	v26 =	vadd.f32 v26, v34;
	v25 =	vand.u32 $0x7FFFFFFF, v25;
	v34 =	vsub.f32 v24, v38;
	v38 =	vld [tilespmem:s22+$0x60]  }
0x8b: {  	v41 =	vld [tilespmem:s22+$0xFFFFFF80];
	v25 =	vadd.f32 v27, v25;
	v27 =	vand.u32 $0x7FFFFFFF, v37;
	v23 =	vsub.f32 v29, v23  }
0x8c: {  	v27 =	vadd.f32 v28, v27;
	v28 =	vand.u32 $0x7FFFFFFF, v34;
	v34 =	vsub.f32 v30, v35;
	[tilespmem:v17+s25+$0x0] =	vst.idx.add.f32.msk $0xffff, v1  }
0x8d: {  	v17 =	vadd.f32 v24, v28;
	v23 =	vand.u32 $0x7FFFFFFF, v23;
	v24 =	vsub.f32 v31, v36;
	[tilespmem:v19+s25+$0x0] =	vst.idx.add.f32.msk $0xffff, v1  }
0x8e: {  	v19 =	vadd.f32 v29, v23;
	v23 =	vand.u32 $0x7FFFFFFF, v34;
	v28 =	vsub.f32 v32, v40;
	[tilespmem:v8+s25+$0x0] =	vst.idx.add.f32.msk $0xffff, v1  }
0x8f: {  	v23 =	vadd.f32 v30, v23;
	v8 =	vand.u32 $0x7FFFFFFF, v24;
	v24 =	vsub.f32 v33, v38;
	[tilespmem:v9+s25+$0x0] =	vst.idx.add.f32.msk $0xffff, v1  }
0x90: {  	v9 =	vsub.f32 v3, v41;
	v29 =	vadd.f32 v31, v8;
	v8 =	vand.u32 $0x7FFFFFFF, v28;
	[tilespmem:v16+s25+$0x0] =	vst.idx.add.f32.msk $0xffff, v1  }
0x91: {  	v16 =	vmul.f32 v20, v2;
	v20 =	vadd.f32 v32, v8;
	v8 =	vand.u32 $0x7FFFFFFF, v24;
	[tilespmem:v15+s25+$0x0] =	vst.idx.add.f32.msk $0xffff, v1  }
0x92: {  	v15 =	vmul.f32 v21, v2;
	v9 =	vand.u32 $0x7FFFFFFF, v9;
	v21 =	vadd.f32 v33, v8;
	[tilespmem:v13+s25+$0x0] =	vst.idx.add.f32.msk $0xffff, v1  }
0x93: {  	v24 =	vmul.f32 v25, v2;
	v13 =	vmul.f32 v26, v2;
	v8 =	vadd.f32 v3, v9  }
0x94: {  	v17 =	vmul.f32 v17, v2;
	v3 =	vmin.f32 v4, $2.047000000e+03;
	v4 =	vmul.f32 v27, v2;
	[tilespmem:v14+s25+$0x0] =	vst.idx.add.f32.msk $0xffff, v1  }
0x95: {  	v14 =	vmul.f32 v8, v2;
	v8 =	vmin.f32 v18, $2.047000000e+03;
	v18 =	vmul.f32 v19, v2;
	[tilespmem:v12+s25+$0x0] =	vst.idx.add.f32.msk $0xffff, v1  }
0x96: {  	v9 =	vmin.f32 v22, $2.047000000e+03;
	v22 =	vmul.f32 v29, v2;
	v19 =	vmul.f32 v23, v2;
	[tilespmem:v10+s25+$0x0] =	vst.idx.add.f32.msk $0xffff, v1  }
.Ltmp1:
0x97: {  	v20 =	vmul.f32 v20, v2;
	v21 =	vmul.f32 v21, v2;
	v23 =	vmin.f32 v14, $2.047000000e+03;
	[tilespmem:v11+s25+$0x0] =	vst.idx.add.f32.msk $0xffff, v1;
	(pc) =	sbr.rel @p0 .LBB2_5-.Ltmp1, $4  }
0x98: {  	v16 =	vmin.f32 v16, $2.047000000e+03;
	v15 =	vmin.f32 v15, $2.047000000e+03;
	v13 =	vmin.f32 v13, $2.047000000e+03;
	[tilespmem:v7+s25+$0x0] =	vst.idx.add.f32.msk $0xffff, v1  }
0x99: {  	v12 =	vmin.f32 v4, $2.047000000e+03;
	v10 =	vmin.f32 v17, $2.047000000e+03;
	v14 =	vmin.f32 v24, $2.047000000e+03;
	[tilespmem:v5+s25+$0x0] =	vst.idx.add.f32.msk $0xffff, v1  }
0x9a: {  	v11 =	vmin.f32 v18, $2.047000000e+03;
	v7 =	vmin.f32 v19, $2.047000000e+03;
	v5 =	vmin.f32 v22, $2.047000000e+03;
	[tilespmem:v6+s25+$0x0] =	vst.idx.add.f32.msk $0xffff, v1  }
0x9b: {  	s7 =	sadd.s32 $0x100, s7;
	v4 =	vmin.f32 v21, $2.047000000e+03;
	v17 =	vtrunc.f32 v23;
	v6 =	vmin.f32 v20, $2.047000000e+03;
	[tilespmem:v39+s25+$0x0] =	vst.idx.add.f32.msk $0xffff, v1  }
0x9c: {  	v3 =	vtrunc.f32 v3;
	v17 =	vcvt.f32.s32 v17  }
0x9d: {  	v8 =	vtrunc.f32 v8;
	v3 =	vcvt.f32.s32 v3  }
0x9e: {  	v9 =	vtrunc.f32 v9;
	v8 =	vcvt.f32.s32 v8  }
0x9f: {  	v16 =	vtrunc.f32 v16;
	v9 =	vcvt.f32.s32 v9  }
0xa0: {  	v15 =	vtrunc.f32 v15;
	v16 =	vcvt.f32.s32 v16  }
0xa1: {  	v13 =	vtrunc.f32 v13;
	v15 =	vcvt.f32.s32 v15  }
0xa2: {  	v14 =	vtrunc.f32 v14;
	v13 =	vcvt.f32.s32 v13;
	[tilespmem:v17+s25+$0x0] =	vst.idx.add.f32.msk $0xffff, v1  }
0xa3: {  	v7 =	vtrunc.f32 v7;
	v14 =	vcvt.f32.s32 v14;
	[tilespmem:v3+s25+$0x0] =	vst.idx.add.f32.msk $0xffff, v1  }
0xa4: {  	v5 =	vtrunc.f32 v5;
	v7 =	vcvt.f32.s32 v7;
	[tilespmem:v8+s25+$0x0] =	vst.idx.add.f32.msk $0xffff, v1  }
0xa5: {  	v6 =	vtrunc.f32 v6;
	v5 =	vcvt.f32.s32 v5;
	[tilespmem:v9+s25+$0x0] =	vst.idx.add.f32.msk $0xffff, v1  }
0xa6: {  	v4 =	vtrunc.f32 v4;
	v6 =	vcvt.f32.s32 v6;
	[tilespmem:v16+s25+$0x0] =	vst.idx.add.f32.msk $0xffff, v1  }
0xa7: {  	v12 =	vtrunc.f32 v12;
	v4 =	vcvt.f32.s32 v4;
	[tilespmem:v15+s25+$0x0] =	vst.idx.add.f32.msk $0xffff, v1  }
0xa8: {  	v3 =	vtrunc.f32 v10;
	v10 =	vcvt.f32.s32 v12;
	[tilespmem:v13+s25+$0x0] =	vst.idx.add.f32.msk $0xffff, v1  }
0xa9: {  	p0 =	seq.s32 s24, $0x12;
	v8 =	vtrunc.f32 v11;
	[tilespmem:v14+s25+$0x0] =	vst.idx.add.f32.msk $0xffff, v1;
	v3 =	vcvt.f32.s32 v3  }
0xaa: {  	s6 =	sshll.u32 @!p0 s24, $0x2;
	[tilespmem:v7+s25+$0x0] =	vst.idx.add.f32.msk $0xffff, v1;
	v8 =	vcvt.f32.s32 v8  }
0xab: {  	s6 =	sadd.s32 @!p0 $0x4, s6;
	[tilespmem:v5+s25+$0x0] =	vst.idx.add.f32.msk $0xffff, v1  }
0xac: {  	s7 =	sand.u32 @!p0 $0xE0, s6;
	[tilespmem:v6+s25+$0x0] =	vst.idx.add.f32.msk $0xffff, v1  }
0xad: {  	s6 =	sshll.u32 @!p0 s6, $0x2;
	s7 =	sor.u32 @!p0 s5, s7;
	[tilespmem:v4+s25+$0x0] =	vst.idx.add.f32.msk $0xffff, v1  }
0xae: {  	s6 =	sand.u32 @!p0 $0x70, s6;
	s7 =	sshll.u32 @!p0 s7, $0xF;
	[tilespmem:v10+s25+$0x0] =	vst.idx.add.f32.msk $0xffff, v1  }
0xaf: {  	s8 =	simm.s32 @!p0 $0x80;
	s6 =	sor.u32 @!p0 s6, s7;
	[tilespmem:v3+s25+$0x0] =	vst.idx.add.f32.msk $0xffff, v1  }
0xb0: {  	s22 =	simm.s32 @!p0 $0x400;
	s9 =	simm.s32 @!p0 $0x0;
	s7 =	sadd.s32 @!p0 s1, s6;
	[tilespmem:v8+s25+$0x0] =	vst.idx.add.f32.msk $0xffff, v1  }
0xb1: {  	[tilespmem:s9], [sflag:$0x1] =	stream.strided.gather @!p0 [hbm4b:s7+s8], $0x2000, s22, s8, $0x38;
	[tilespmem:$0x19880] =	vst v63  }
0xb2: {  	s6 =	sadd.s32 @!p0 s2, s6;
	s7 =	simm.s32 @!p0 $0x8000  }
0xb3: {  	[tilespmem:s7], [sflag:$0x5] =	stream.strided.gather @!p0 [hbm4b:s6+s8], $0x2000, s22, s8, $0x38;
	[tilespmem:$0x19880] =	vst v63  }
0xb4: {  	_ =	swait.ge [sflag:s31], $0x2000  }
0xb5: {  	[sflag:s31] =	ssyncset.done $0x0  }
0xb6: {  	[sflag:s31] =	ssyncadd.s32 $0xFFFFE000  }
0xb7: {  	_ =	swait.ge [sflag:s3], $0x2000  }
0xb8: {  	[sflag:s3] =	ssyncset.done $0x0  }
0xb9: {  	s10 =	simm.s32 $0xA080;
	[sflag:s3] =	ssyncadd.s32 $0xFFFFE000  }
0xba: {  	v3 =	vld [tilespmem:s10+$0x70]  }
0xbb: {  	s22 =	simm.s32 $0x2080;
	v4 =	vld [tilespmem:s10+$0xFFFFFF80]  }
0xbc: {  	v5 =	vld [tilespmem:s22+$0x70]  }
0xbd: {  	v6 =	vld [tilespmem:s10+$0xFFFFFF90]  }
0xbe: {  	v7 =	vld [tilespmem:s10+$0xFFFFFFA0]  }
0xbf: {  	v8 =	vld [tilespmem:s10+$0xFFFFFFB0]  }
0xc0: {  	v9 =	vld [tilespmem:s10+$0xFFFFFFC0]  }
0xc1: {  	v10 =	vld [tilespmem:s10+$0xFFFFFFD0]  }
0xc2: {  	v11 =	vld [tilespmem:s10+$0xFFFFFFE0]  }
0xc3: {  	v12 =	vld [tilespmem:s10+$0xFFFFFFF0]  }
0xc4: {  	v13 =	vld [tilespmem:s10+$0x0]  }
0xc5: {  	v14 =	vld [tilespmem:s10+$0x10]  }
0xc6: {  	v15 =	vld [tilespmem:s10+$0x20]  }
0xc7: {  	v16 =	vld [tilespmem:s10+$0x30]  }
0xc8: {  	v17 =	vld [tilespmem:s10+$0x40];
	v3 =	vcvt.s32.f32 v3  }
0xc9: {  	v19 =	vld [tilespmem:s22+$0xFFFFFF90]  }
0xca: {  	v20 =	vld [tilespmem:s22+$0xFFFFFFA0];
	v5 =	vsub.f32 v3, v5  }
0xcb: {  	v21 =	vld [tilespmem:s22+$0xFFFFFFB0];
	v4 =	vcvt.s32.f32 v4;
	v6 =	vcvt.s32.f32 v6  }
0xcc: {  	v22 =	vld [tilespmem:s22+$0xFFFFFFC0];
	v7 =	vcvt.s32.f32 v7;
	v8 =	vcvt.s32.f32 v8;
	v5 =	vand.u32 $0x7FFFFFFF, v5  }
0xcd: {  	v18 =	vld [tilespmem:s10+$0x60];
	v9 =	vcvt.s32.f32 v9;
	v10 =	vcvt.s32.f32 v10;
	v3 =	vadd.f32 v3, v5  }
0xce: {  	v24 =	vld [tilespmem:s22+$0xFFFFFFE0];
	v11 =	vcvt.s32.f32 v11;
	v12 =	vcvt.s32.f32 v12  }
0xcf: {  	v52 =	vld [tilespmem:s22+$0x0];
	v13 =	vcvt.s32.f32 v13;
	v19 =	vsub.f32 v6, v19;
	v3 =	vmul.f32 v3, v2  }
0xd0: {  	v56 =	vld [tilespmem:s22+$0x40];
	v17 =	vcvt.s32.f32 v17;
	v20 =	vsub.f32 v7, v20;
	v21 =	vsub.f32 v8, v21  }
0xd1: {  	v58 =	vld [tilespmem:s22+$0x60];
	v51 =	vsub.f32 v9, v22;
	v19 =	vand.u32 $0x7FFFFFFF, v19;
	v3 =	vmin.f32 v3, $2.047000000e+03  }
0xd2: {  	v54 =	vld [tilespmem:s22+$0x20];
	v6 =	vadd.f32 v6, v19;
	v19 =	vand.u32 $0x7FFFFFFF, v20;
	v3 =	vtrunc.f32 v3  }
0xd3: {  	v7 =	vadd.f32 v7, v19;
	v19 =	vand.u32 $0x7FFFFFFF, v21;
	v23 =	vcvt.f32.s32 v3;
	v3 =	vld [tilespmem:s22+$0xFFFFFFD0]  }
0xd4: {  	v53 =	vld [tilespmem:s22+$0x10];
	v18 =	vcvt.s32.f32 v18;
	v8 =	vadd.f32 v8, v19;
	v19 =	vand.u32 $0x7FFFFFFF, v51  }
0xd5: {  	v14 =	vcvt.s32.f32 v14;
	v5 =	vld [tilespmem:s10+$0x50];
	v9 =	vadd.f32 v9, v19;
	v19 =	vsub.f32 v11, v24  }
0xd6: {  	v25 =	vld [tilespmem:s22+$0xFFFFFFF0];
	v15 =	vcvt.s32.f32 v15;
	v59 =	vsub.f32 v17, v56;
	v60 =	vsub.f32 v18, v58  }
0xd7: {  	v55 =	vld [tilespmem:s22+$0x30];
	v26 =	vmul.f32 v8, v2;
	v8 =	vand.u32 $0x7FFFFFFF, v19;
	v19 =	vsub.f32 v13, v52  }
0xd8: {  	v16 =	vcvt.s32.f32 v16;
	v20 =	vsub.f32 v15, v54;
	v3 =	vsub.f32 v10, v3  }
0xd9: {  	v57 =	vld [tilespmem:s22+$0x50];
	v8 =	vadd.f32 v11, v8;
	v11 =	vsub.f32 v14, v53;
	v19 =	vand.u32 $0x7FFFFFFF, v19  }
0xda: {  	v5 =	vcvt.s32.f32 v5;
	v13 =	vadd.f32 v13, v19;
	v3 =	vand.u32 $0x7FFFFFFF, v3  }
0xdb: {  	v11 =	vand.u32 $0x7FFFFFFF, v11;
	v3 =	vadd.f32 v10, v3;
	v10 =	vsub.f32 v12, v25  }
0xdc: {  	v19 =	vsub.f32 v16, v55;
	v11 =	vadd.f32 v14, v11;
	v14 =	vand.u32 $0x7FFFFFFF, v20  }
0xdd: {  	v6 =	vmul.f32 v6, v2;
	v14 =	vadd.f32 v15, v14;
	v10 =	vand.u32 $0x7FFFFFFF, v10  }
0xde: {  	v15 =	vand.u32 $0x7FFFFFFF, v19;
	v19 =	vsub.f32 v5, v57;
	v10 =	vadd.f32 v12, v10;
	v12 =	vld [tilespmem:s22+$0xFFFFFF80]  }
0xdf: {  	v7 =	vmul.f32 v7, v2;
	v15 =	vadd.f32 v16, v15;
	v16 =	vand.u32 $0x7FFFFFFF, v59  }
0xe0: {  	v11 =	vmul.f32 v11, v2;
	v16 =	vadd.f32 v17, v16;
	v17 =	vand.u32 $0x7FFFFFFF, v19  }
0xe1: {  	v19 =	vmul.f32 v9, v2;
	v9 =	vand.u32 $0x7FFFFFFF, v60;
	v5 =	vadd.f32 v5, v17  }
0xe2: {  	v18 =	vadd.f32 v18, v9;
	v9 =	vmin.f32 v26, $2.047000000e+03;
	v61 =	vmul.f32 v15, v2  }
0xe3: {  	v62 =	vmul.f32 v16, v2;
	v63 =	vmul.f32 v5, v2;
	v12 =	vsub.f32 v4, v12  }
0xe4: {  	v16 =	vmin.f32 v19, $2.047000000e+03;
	v18 =	vmul.f32 v18, v2;
	v17 =	vmul.f32 v3, v2  }
0xe5: {  	v3 =	vmin.f32 v6, $2.047000000e+03;
	v10 =	vmul.f32 v10, v2;
	v12 =	vand.u32 $0x7FFFFFFF, v12  }
0xe6: {  	v6 =	vmul.f32 v13, v2;
	v5 =	vmin.f32 v62, $2.047000000e+03;
	v4 =	vadd.f32 v4, v12  }
0xe7: {  	v15 =	vmin.f32 v17, $2.047000000e+03;
	v13 =	vmin.f32 v10, $2.047000000e+03;
	v12 =	vmul.f32 v8, v2  }
0xe8: {  	v8 =	vmin.f32 v7, $2.047000000e+03;
	v7 =	vmul.f32 v14, v2;
	v4 =	vmul.f32 v4, v2  }
0xe9: {  	v10 =	vmin.f32 v11, $2.047000000e+03;
	v14 =	vmin.f32 v12, $2.047000000e+03;
	v12 =	vmin.f32 v6, $2.047000000e+03  }
0xea: {  	v11 =	vmin.f32 v7, $2.047000000e+03;
	v7 =	vmin.f32 v61, $2.047000000e+03;
	v4 =	vmin.f32 v4, $2.047000000e+03  }
0xeb: {  	s6 =	simm.s32 $0x0;
	s7 =	simm.s32 $0xA180;
	[tilespmem:v23+s25+$0x0] =	vst.idx.add.f32.msk $0xffff, v1;
	v6 =	vmin.f32 v63, $2.047000000e+03;
	v17 =	vtrunc.f32 v4;
	v4 =	vmin.f32 v18, $2.047000000e+03  }
.LBB2_7:
0xec: {  	v18 =	vld [tilespmem:s7+$0x70];
	s6 =	sadd.s32 $0x10, s6;
	v19 =	vtrunc.f32 v3;
	v8 =	vtrunc.f32 v8  }
0xed: {  	v9 =	vtrunc.f32 v9;
	v16 =	vtrunc.f32 v16;
	s22 =	sadd.s32 $0x100, s22;
	v3 =	vld [tilespmem:s7+$0xFFFFFF80];
	p1 =	slt.u32 s6, $0x1F0  }
0xee: {  	v15 =	vtrunc.f32 v15;
	v14 =	vtrunc.f32 v14;
	v20 =	vld [tilespmem:s22+$0x70]  }
0xef: {  	v13 =	vtrunc.f32 v13;
	v12 =	vtrunc.f32 v12;
	v21 =	vld [tilespmem:s7+$0xFFFFFF90]  }
0xf0: {  	v10 =	vtrunc.f32 v10;
	v11 =	vtrunc.f32 v11;
	v22 =	vld [tilespmem:s7+$0xFFFFFFA0]  }
0xf1: {  	v7 =	vtrunc.f32 v7;
	v23 =	vld [tilespmem:s7+$0xFFFFFFB0];
	v18 =	vcvt.s32.f32 v18  }
0xf2: {  	v5 =	vtrunc.f32 v5;
	v3 =	vcvt.s32.f32 v3;
	v24 =	vld [tilespmem:s7+$0xFFFFFFC0]  }
0xf3: {  	v6 =	vtrunc.f32 v6;
	v4 =	vtrunc.f32 v4;
	v25 =	vld [tilespmem:s7+$0xFFFFFFD0];
	v20 =	vsub.f32 v18, v20  }
0xf4: {  	v17 =	vcvt.f32.s32 v17;
	v21 =	vcvt.s32.f32 v21;
	v26 =	vld [tilespmem:s7+$0xFFFFFFE0]  }
0xf5: {  	v19 =	vcvt.f32.s32 v19;
	v22 =	vcvt.s32.f32 v22;
	v27 =	vld [tilespmem:s7+$0xFFFFFFF0];
	v20 =	vand.u32 $0x7FFFFFFF, v20  }
0xf6: {  	v8 =	vcvt.f32.s32 v8;
	v23 =	vcvt.s32.f32 v23;
	v28 =	vld [tilespmem:s7+$0x0];
	v18 =	vadd.f32 v18, v20  }
0xf7: {  	v9 =	vcvt.f32.s32 v9;
	v20 =	vcvt.s32.f32 v24;
	v24 =	vld [tilespmem:s7+$0x10]  }
0xf8: {  	v25 =	vcvt.s32.f32 v25;
	v29 =	vld [tilespmem:s7+$0x20];
	v18 =	vmul.f32 v18, v2  }
0xf9: {  	v16 =	vcvt.f32.s32 v16;
	v26 =	vcvt.s32.f32 v26;
	v30 =	vld [tilespmem:s7+$0x30]  }
0xfa: {  	v15 =	vcvt.f32.s32 v15;
	v27 =	vcvt.s32.f32 v27;
	v31 =	vld [tilespmem:s7+$0x40];
	v18 =	vmin.f32 v18, $2.047000000e+03  }
0xfb: {  	v28 =	vcvt.s32.f32 v28;
	v32 =	vld [tilespmem:s7+$0x50];
	v18 =	vtrunc.f32 v18  }
0xfc: {  	v24 =	vcvt.s32.f32 v24;
	v33 =	vld [tilespmem:s7+$0x60];
	v18 =	vcvt.f32.s32 v18  }
0xfd: {  	v14 =	vcvt.f32.s32 v14;
	v34 =	vld [tilespmem:s22+$0xFFFFFF90];
	v29 =	vcvt.s32.f32 v29  }
0xfe: {  	v13 =	vcvt.f32.s32 v13;
	v35 =	vld [tilespmem:s22+$0xFFFFFFA0];
	v30 =	vcvt.s32.f32 v30  }
0xff: {  	v12 =	vcvt.f32.s32 v12;
	v36 =	vld [tilespmem:s22+$0xFFFFFFB0];
	v31 =	vcvt.s32.f32 v31  }
0x100: {  	v10 =	vcvt.f32.s32 v10;
	v37 =	vld [tilespmem:s22+$0xFFFFFFC0];
	v32 =	vcvt.s32.f32 v32  }
0x101: {  	v11 =	vcvt.f32.s32 v11;
	v38 =	vld [tilespmem:s22+$0xFFFFFFD0];
	v33 =	vcvt.s32.f32 v33  }
0x102: {  	v7 =	vcvt.f32.s32 v7;
	v5 =	vcvt.f32.s32 v5;
	v34 =	vsub.f32 v21, v34;
	[tilespmem:v18+s25+$0x0] =	vst.idx.add.f32.msk $0xffff, v1  }
0x103: {  	v6 =	vcvt.f32.s32 v6;
	v39 =	vcvt.f32.s32 v4;
	v18 =	vsub.f32 v22, v35;
	v35 =	vld [tilespmem:s22+$0xFFFFFFE0]  }
0x104: {  	v4 =	vand.u32 $0x7FFFFFFF, v34;
	v34 =	vsub.f32 v23, v36;
	v36 =	vld [tilespmem:s22+$0xFFFFFFF0]  }
0x105: {  	v4 =	vadd.f32 v21, v4;
	v18 =	vand.u32 $0x7FFFFFFF, v18;
	v21 =	vsub.f32 v20, v37;
	v37 =	vld [tilespmem:s22+$0x0]  }
0x106: {  	v18 =	vadd.f32 v22, v18;
	v22 =	vand.u32 $0x7FFFFFFF, v34;
	v34 =	vsub.f32 v25, v38;
	v38 =	vld [tilespmem:s22+$0x10]  }
0x107: {  	v4 =	vmul.f32 v4, v2;
	v22 =	vadd.f32 v23, v22;
	v21 =	vand.u32 $0x7FFFFFFF, v21;
	v23 =	vld [tilespmem:s22+$0x20]  }
0x108: {  	v20 =	vadd.f32 v20, v21;
	v21 =	vand.u32 $0x7FFFFFFF, v34;
	v34 =	vsub.f32 v26, v35;
	v35 =	vld [tilespmem:s22+$0x30]  }
0x109: {  	v18 =	vmul.f32 v18, v2;
	v21 =	vadd.f32 v25, v21;
	v25 =	vsub.f32 v27, v36;
	v36 =	vld [tilespmem:s22+$0x40]  }
0x10a: {  	v22 =	vmul.f32 v22, v2;
	v34 =	vand.u32 $0x7FFFFFFF, v34;
	v37 =	vsub.f32 v28, v37;
	v40 =	vld [tilespmem:s22+$0x50]  }
0x10b: {  	v26 =	vadd.f32 v26, v34;
	v25 =	vand.u32 $0x7FFFFFFF, v25;
	v34 =	vsub.f32 v24, v38;
	v38 =	vld [tilespmem:s22+$0x60]  }
0x10c: {  	v41 =	vld [tilespmem:s22+$0xFFFFFF80];
	v25 =	vadd.f32 v27, v25;
	v27 =	vand.u32 $0x7FFFFFFF, v37;
	v23 =	vsub.f32 v29, v23  }
0x10d: {  	v27 =	vadd.f32 v28, v27;
	v28 =	vand.u32 $0x7FFFFFFF, v34;
	v34 =	vsub.f32 v30, v35;
	[tilespmem:v17+s25+$0x0] =	vst.idx.add.f32.msk $0xffff, v1  }
0x10e: {  	v17 =	vadd.f32 v24, v28;
	v23 =	vand.u32 $0x7FFFFFFF, v23;
	v24 =	vsub.f32 v31, v36;
	[tilespmem:v19+s25+$0x0] =	vst.idx.add.f32.msk $0xffff, v1  }
0x10f: {  	v19 =	vadd.f32 v29, v23;
	v23 =	vand.u32 $0x7FFFFFFF, v34;
	v28 =	vsub.f32 v32, v40;
	[tilespmem:v8+s25+$0x0] =	vst.idx.add.f32.msk $0xffff, v1  }
0x110: {  	v23 =	vadd.f32 v30, v23;
	v8 =	vand.u32 $0x7FFFFFFF, v24;
	v24 =	vsub.f32 v33, v38;
	[tilespmem:v9+s25+$0x0] =	vst.idx.add.f32.msk $0xffff, v1  }
0x111: {  	v9 =	vsub.f32 v3, v41;
	v29 =	vadd.f32 v31, v8;
	v8 =	vand.u32 $0x7FFFFFFF, v28;
	[tilespmem:v16+s25+$0x0] =	vst.idx.add.f32.msk $0xffff, v1  }
0x112: {  	v16 =	vmul.f32 v20, v2;
	v20 =	vadd.f32 v32, v8;
	v8 =	vand.u32 $0x7FFFFFFF, v24;
	[tilespmem:v15+s25+$0x0] =	vst.idx.add.f32.msk $0xffff, v1  }
0x113: {  	v15 =	vmul.f32 v21, v2;
	v9 =	vand.u32 $0x7FFFFFFF, v9;
	v21 =	vadd.f32 v33, v8;
	[tilespmem:v14+s25+$0x0] =	vst.idx.add.f32.msk $0xffff, v1  }
0x114: {  	v24 =	vmul.f32 v25, v2;
	v14 =	vmul.f32 v26, v2;
	v8 =	vadd.f32 v3, v9  }
0x115: {  	v17 =	vmul.f32 v17, v2;
	v3 =	vmin.f32 v4, $2.047000000e+03;
	v4 =	vmul.f32 v27, v2;
	[tilespmem:v13+s25+$0x0] =	vst.idx.add.f32.msk $0xffff, v1  }
0x116: {  	v13 =	vmul.f32 v8, v2;
	v8 =	vmin.f32 v18, $2.047000000e+03;
	v18 =	vmul.f32 v19, v2;
	[tilespmem:v12+s25+$0x0] =	vst.idx.add.f32.msk $0xffff, v1  }
0x117: {  	v9 =	vmin.f32 v22, $2.047000000e+03;
	v22 =	vmul.f32 v29, v2;
	v19 =	vmul.f32 v23, v2;
	[tilespmem:v10+s25+$0x0] =	vst.idx.add.f32.msk $0xffff, v1  }
.Ltmp2:
0x118: {  	v20 =	vmul.f32 v20, v2;
	v21 =	vmul.f32 v21, v2;
	v23 =	vmin.f32 v13, $2.047000000e+03;
	[tilespmem:v11+s25+$0x0] =	vst.idx.add.f32.msk $0xffff, v1;
	(pc) =	sbr.rel @p1 .LBB2_7-.Ltmp2, $4  }
0x119: {  	v16 =	vmin.f32 v16, $2.047000000e+03;
	v15 =	vmin.f32 v15, $2.047000000e+03;
	v14 =	vmin.f32 v14, $2.047000000e+03;
	[tilespmem:v7+s25+$0x0] =	vst.idx.add.f32.msk $0xffff, v1  }
0x11a: {  	v12 =	vmin.f32 v4, $2.047000000e+03;
	v10 =	vmin.f32 v17, $2.047000000e+03;
	v13 =	vmin.f32 v24, $2.047000000e+03;
	[tilespmem:v5+s25+$0x0] =	vst.idx.add.f32.msk $0xffff, v1  }
0x11b: {  	v11 =	vmin.f32 v18, $2.047000000e+03;
	v7 =	vmin.f32 v19, $2.047000000e+03;
	v5 =	vmin.f32 v22, $2.047000000e+03;
	[tilespmem:v6+s25+$0x0] =	vst.idx.add.f32.msk $0xffff, v1  }
0x11c: {  	s7 =	sadd.s32 $0x100, s7;
	v4 =	vmin.f32 v21, $2.047000000e+03;
	v17 =	vtrunc.f32 v23;
	v6 =	vmin.f32 v20, $2.047000000e+03;
	[tilespmem:v39+s25+$0x0] =	vst.idx.add.f32.msk $0xffff, v1  }
0x11d: {  	v3 =	vtrunc.f32 v3;
	v17 =	vcvt.f32.s32 v17  }
0x11e: {  	v8 =	vtrunc.f32 v8;
	v3 =	vcvt.f32.s32 v3  }
0x11f: {  	v9 =	vtrunc.f32 v9;
	v8 =	vcvt.f32.s32 v8  }
0x120: {  	v16 =	vtrunc.f32 v16;
	v9 =	vcvt.f32.s32 v9  }
0x121: {  	v15 =	vtrunc.f32 v15;
	v16 =	vcvt.f32.s32 v16  }
0x122: {  	v14 =	vtrunc.f32 v14;
	v15 =	vcvt.f32.s32 v15  }
0x123: {  	v13 =	vtrunc.f32 v13;
	v14 =	vcvt.f32.s32 v14;
	[tilespmem:v17+s25+$0x0] =	vst.idx.add.f32.msk $0xffff, v1  }
0x124: {  	v7 =	vtrunc.f32 v7;
	v13 =	vcvt.f32.s32 v13;
	[tilespmem:v3+s25+$0x0] =	vst.idx.add.f32.msk $0xffff, v1  }
0x125: {  	v5 =	vtrunc.f32 v5;
	v7 =	vcvt.f32.s32 v7;
	[tilespmem:v8+s25+$0x0] =	vst.idx.add.f32.msk $0xffff, v1  }
0x126: {  	v6 =	vtrunc.f32 v6;
	v5 =	vcvt.f32.s32 v5;
	[tilespmem:v9+s25+$0x0] =	vst.idx.add.f32.msk $0xffff, v1  }
0x127: {  	v4 =	vtrunc.f32 v4;
	v6 =	vcvt.f32.s32 v6;
	[tilespmem:v16+s25+$0x0] =	vst.idx.add.f32.msk $0xffff, v1  }
0x128: {  	v12 =	vtrunc.f32 v12;
	v4 =	vcvt.f32.s32 v4;
	[tilespmem:v15+s25+$0x0] =	vst.idx.add.f32.msk $0xffff, v1  }
0x129: {  	v3 =	vtrunc.f32 v10;
	v10 =	vcvt.f32.s32 v12;
	[tilespmem:v14+s25+$0x0] =	vst.idx.add.f32.msk $0xffff, v1  }
0x12a: {  	s6 =	sadd.s32 @!p0 $0x1, s24;
	v8 =	vtrunc.f32 v11;
	[tilespmem:v13+s25+$0x0] =	vst.idx.add.f32.msk $0xffff, v1;
	v3 =	vcvt.f32.s32 v3  }
0x12b: {  	s7 =	sshll.u32 @!p0 s6, $0x14;
	s6 =	sshll.u32 @!p0 s6, $0x7;
	[tilespmem:v7+s25+$0x0] =	vst.idx.add.f32.msk $0xffff, v1;
	v8 =	vcvt.f32.s32 v8  }
0x12c: {  	s7 =	sand.u32 @!p0 $0x3800000, s7;
	s6 =	sand.u32 @!p0 $0x380, s6;
	[tilespmem:v5+s25+$0x0] =	vst.idx.add.f32.msk $0xffff, v1  }
0x12d: {  	s6 =	sor.u32 @!p0 s6, s7;
	[tilespmem:v6+s25+$0x0] =	vst.idx.add.f32.msk $0xffff, v1  }
0x12e: {  	s6 =	sor.u32 @!p0 s15, s6;
	[tilespmem:v4+s25+$0x0] =	vst.idx.add.f32.msk $0xffff, v1  }
0x12f: {  	s22 =	sshrl.u32 @!p0 s6, $0x3;
	[tilespmem:v10+s25+$0x0] =	vst.idx.add.f32.msk $0xffff, v1  }
0x130: {  	s8 =	simm.s32 @!p0 $0x80;
	s6 =	sor.u32 @!p0 $0x2000, s22;
	[tilespmem:v3+s25+$0x0] =	vst.idx.add.f32.msk $0xffff, v1  }
0x131: {  	s9 =	simm.s32 @!p0 $0x400;
	s10 =	simm.s32 @!p0 $0x2000;
	s7 =	sadd.s32 @!p0 s1, s6;
	[tilespmem:v8+s25+$0x0] =	vst.idx.add.f32.msk $0xffff, v1  }
0x132: {  	[tilespmem:s10], [sflag:$0x2] =	stream.strided.gather @!p0 [hbm4b:s7+s8], $0x2000, s9, s8, $0x38;
	[tilespmem:$0x19880] =	vst v63  }
0x133: {  	s6 =	sadd.s32 @!p0 s2, s6;
	s7 =	simm.s32 @!p0 $0xA000  }
0x134: {  	[tilespmem:s7], [sflag:$0x6] =	stream.strided.gather @!p0 [hbm4b:s6+s8], $0x2000, s9, s8, $0x38;
	[tilespmem:$0x19880] =	vst v63  }
0x135: {  	_ =	swait.ge [sflag:s0], $0x2000  }
0x136: {  	[sflag:s0] =	ssyncset.done $0x0  }
0x137: {  	[sflag:s0] =	ssyncadd.s32 $0xFFFFE000  }
0x138: {  	_ =	swait.ge [sflag:s4], $0x2000  }
0x139: {  	[sflag:s4] =	ssyncset.done $0x0  }
0x13a: {  	s10 =	simm.s32 $0xC080;
	[sflag:s4] =	ssyncadd.s32 $0xFFFFE000  }
0x13b: {  	v3 =	vld [tilespmem:s10+$0x70]  }
0x13c: {  	s6 =	simm.s32 $0x4080;
	v4 =	vld [tilespmem:s10+$0xFFFFFF80]  }
0x13d: {  	v5 =	vld [tilespmem:s6+$0x70]  }
0x13e: {  	v6 =	vld [tilespmem:s10+$0xFFFFFF90]  }
0x13f: {  	v7 =	vld [tilespmem:s10+$0xFFFFFFA0]  }
0x140: {  	v8 =	vld [tilespmem:s10+$0xFFFFFFB0]  }
0x141: {  	v9 =	vld [tilespmem:s10+$0xFFFFFFC0]  }
0x142: {  	v10 =	vld [tilespmem:s10+$0xFFFFFFD0]  }
0x143: {  	v11 =	vld [tilespmem:s10+$0xFFFFFFE0]  }
0x144: {  	v12 =	vld [tilespmem:s10+$0xFFFFFFF0]  }
0x145: {  	v13 =	vld [tilespmem:s10+$0x0]  }
0x146: {  	v14 =	vld [tilespmem:s10+$0x10]  }
0x147: {  	v15 =	vld [tilespmem:s10+$0x20]  }
0x148: {  	v16 =	vld [tilespmem:s10+$0x30]  }
0x149: {  	v17 =	vld [tilespmem:s10+$0x40];
	v3 =	vcvt.s32.f32 v3  }
0x14a: {  	v19 =	vld [tilespmem:s6+$0xFFFFFF90]  }
0x14b: {  	v20 =	vld [tilespmem:s6+$0xFFFFFFA0];
	v5 =	vsub.f32 v3, v5  }
0x14c: {  	v21 =	vld [tilespmem:s6+$0xFFFFFFB0];
	v4 =	vcvt.s32.f32 v4;
	v6 =	vcvt.s32.f32 v6  }
0x14d: {  	v22 =	vld [tilespmem:s6+$0xFFFFFFC0];
	v7 =	vcvt.s32.f32 v7;
	v8 =	vcvt.s32.f32 v8;
	v5 =	vand.u32 $0x7FFFFFFF, v5  }
0x14e: {  	v18 =	vld [tilespmem:s10+$0x60];
	v9 =	vcvt.s32.f32 v9;
	v10 =	vcvt.s32.f32 v10;
	v3 =	vadd.f32 v3, v5  }
0x14f: {  	v24 =	vld [tilespmem:s6+$0xFFFFFFE0];
	v11 =	vcvt.s32.f32 v11;
	v12 =	vcvt.s32.f32 v12  }
0x150: {  	v52 =	vld [tilespmem:s6+$0x0];
	v13 =	vcvt.s32.f32 v13;
	v19 =	vsub.f32 v6, v19;
	v3 =	vmul.f32 v3, v2  }
0x151: {  	v56 =	vld [tilespmem:s6+$0x40];
	v17 =	vcvt.s32.f32 v17;
	v20 =	vsub.f32 v7, v20;
	v21 =	vsub.f32 v8, v21  }
0x152: {  	v58 =	vld [tilespmem:s6+$0x60];
	v51 =	vsub.f32 v9, v22;
	v19 =	vand.u32 $0x7FFFFFFF, v19;
	v3 =	vmin.f32 v3, $2.047000000e+03  }
0x153: {  	v54 =	vld [tilespmem:s6+$0x20];
	v6 =	vadd.f32 v6, v19;
	v19 =	vand.u32 $0x7FFFFFFF, v20;
	v3 =	vtrunc.f32 v3  }
0x154: {  	v7 =	vadd.f32 v7, v19;
	v19 =	vand.u32 $0x7FFFFFFF, v21;
	v23 =	vcvt.f32.s32 v3;
	v3 =	vld [tilespmem:s6+$0xFFFFFFD0]  }
0x155: {  	v53 =	vld [tilespmem:s6+$0x10];
	v18 =	vcvt.s32.f32 v18;
	v8 =	vadd.f32 v8, v19;
	v19 =	vand.u32 $0x7FFFFFFF, v51  }
0x156: {  	v14 =	vcvt.s32.f32 v14;
	v5 =	vld [tilespmem:s10+$0x50];
	v9 =	vadd.f32 v9, v19;
	v19 =	vsub.f32 v11, v24  }
0x157: {  	v25 =	vld [tilespmem:s6+$0xFFFFFFF0];
	v15 =	vcvt.s32.f32 v15;
	v59 =	vsub.f32 v17, v56;
	v60 =	vsub.f32 v18, v58  }
0x158: {  	v55 =	vld [tilespmem:s6+$0x30];
	v26 =	vmul.f32 v8, v2;
	v8 =	vand.u32 $0x7FFFFFFF, v19;
	v19 =	vsub.f32 v13, v52  }
0x159: {  	v16 =	vcvt.s32.f32 v16;
	v20 =	vsub.f32 v15, v54;
	v3 =	vsub.f32 v10, v3  }
0x15a: {  	v57 =	vld [tilespmem:s6+$0x50];
	v8 =	vadd.f32 v11, v8;
	v11 =	vsub.f32 v14, v53;
	v19 =	vand.u32 $0x7FFFFFFF, v19  }
0x15b: {  	v5 =	vcvt.s32.f32 v5;
	v13 =	vadd.f32 v13, v19;
	v3 =	vand.u32 $0x7FFFFFFF, v3  }
0x15c: {  	v11 =	vand.u32 $0x7FFFFFFF, v11;
	v3 =	vadd.f32 v10, v3;
	v10 =	vsub.f32 v12, v25  }
0x15d: {  	v19 =	vsub.f32 v16, v55;
	v11 =	vadd.f32 v14, v11;
	v14 =	vand.u32 $0x7FFFFFFF, v20  }
0x15e: {  	v6 =	vmul.f32 v6, v2;
	v14 =	vadd.f32 v15, v14;
	v10 =	vand.u32 $0x7FFFFFFF, v10  }
0x15f: {  	v15 =	vand.u32 $0x7FFFFFFF, v19;
	v19 =	vsub.f32 v5, v57;
	v10 =	vadd.f32 v12, v10;
	v12 =	vld [tilespmem:s6+$0xFFFFFF80]  }
0x160: {  	v7 =	vmul.f32 v7, v2;
	v15 =	vadd.f32 v16, v15;
	v16 =	vand.u32 $0x7FFFFFFF, v59  }
0x161: {  	v11 =	vmul.f32 v11, v2;
	v16 =	vadd.f32 v17, v16;
	v17 =	vand.u32 $0x7FFFFFFF, v19  }
0x162: {  	v19 =	vmul.f32 v9, v2;
	v9 =	vand.u32 $0x7FFFFFFF, v60;
	v5 =	vadd.f32 v5, v17  }
0x163: {  	v18 =	vadd.f32 v18, v9;
	v9 =	vmin.f32 v26, $2.047000000e+03;
	v61 =	vmul.f32 v15, v2  }
0x164: {  	v62 =	vmul.f32 v16, v2;
	v63 =	vmul.f32 v5, v2;
	v12 =	vsub.f32 v4, v12  }
0x165: {  	v16 =	vmin.f32 v19, $2.047000000e+03;
	v18 =	vmul.f32 v18, v2;
	v17 =	vmul.f32 v3, v2  }
0x166: {  	v3 =	vmin.f32 v6, $2.047000000e+03;
	v10 =	vmul.f32 v10, v2;
	v12 =	vand.u32 $0x7FFFFFFF, v12  }
0x167: {  	v6 =	vmul.f32 v13, v2;
	v5 =	vmin.f32 v62, $2.047000000e+03;
	v4 =	vadd.f32 v4, v12  }
0x168: {  	v15 =	vmin.f32 v17, $2.047000000e+03;
	v13 =	vmin.f32 v10, $2.047000000e+03;
	v12 =	vmul.f32 v8, v2  }
0x169: {  	v8 =	vmin.f32 v7, $2.047000000e+03;
	v7 =	vmul.f32 v14, v2;
	v4 =	vmul.f32 v4, v2  }
0x16a: {  	v10 =	vmin.f32 v11, $2.047000000e+03;
	v14 =	vmin.f32 v12, $2.047000000e+03;
	v12 =	vmin.f32 v6, $2.047000000e+03  }
0x16b: {  	v11 =	vmin.f32 v7, $2.047000000e+03;
	v7 =	vmin.f32 v61, $2.047000000e+03;
	v4 =	vmin.f32 v4, $2.047000000e+03  }
0x16c: {  	s7 =	simm.s32 $0x0;
	s8 =	simm.s32 $0xC180;
	[tilespmem:v23+s25+$0x0] =	vst.idx.add.f32.msk $0xffff, v1;
	v6 =	vmin.f32 v63, $2.047000000e+03;
	v17 =	vtrunc.f32 v4;
	v4 =	vmin.f32 v18, $2.047000000e+03  }
.LBB2_9:
0x16d: {  	v18 =	vld [tilespmem:s8+$0x70];
	s7 =	sadd.s32 $0x10, s7;
	v19 =	vtrunc.f32 v3;
	v8 =	vtrunc.f32 v8  }
0x16e: {  	v9 =	vtrunc.f32 v9;
	v16 =	vtrunc.f32 v16;
	s6 =	sadd.s32 $0x100, s6;
	v3 =	vld [tilespmem:s8+$0xFFFFFF80];
	p1 =	slt.u32 s7, $0x1F0  }
0x16f: {  	v15 =	vtrunc.f32 v15;
	v14 =	vtrunc.f32 v14;
	v20 =	vld [tilespmem:s6+$0x70]  }
0x170: {  	v13 =	vtrunc.f32 v13;
	v12 =	vtrunc.f32 v12;
	v21 =	vld [tilespmem:s8+$0xFFFFFF90]  }
0x171: {  	v10 =	vtrunc.f32 v10;
	v11 =	vtrunc.f32 v11;
	v22 =	vld [tilespmem:s8+$0xFFFFFFA0]  }
0x172: {  	v7 =	vtrunc.f32 v7;
	v23 =	vld [tilespmem:s8+$0xFFFFFFB0];
	v18 =	vcvt.s32.f32 v18  }
0x173: {  	v5 =	vtrunc.f32 v5;
	v3 =	vcvt.s32.f32 v3;
	v24 =	vld [tilespmem:s8+$0xFFFFFFC0]  }
0x174: {  	v6 =	vtrunc.f32 v6;
	v4 =	vtrunc.f32 v4;
	v25 =	vld [tilespmem:s8+$0xFFFFFFD0];
	v20 =	vsub.f32 v18, v20  }
0x175: {  	v17 =	vcvt.f32.s32 v17;
	v21 =	vcvt.s32.f32 v21;
	v26 =	vld [tilespmem:s8+$0xFFFFFFE0]  }
0x176: {  	v19 =	vcvt.f32.s32 v19;
	v22 =	vcvt.s32.f32 v22;
	v27 =	vld [tilespmem:s8+$0xFFFFFFF0];
	v20 =	vand.u32 $0x7FFFFFFF, v20  }
0x177: {  	v8 =	vcvt.f32.s32 v8;
	v23 =	vcvt.s32.f32 v23;
	v28 =	vld [tilespmem:s8+$0x0];
	v18 =	vadd.f32 v18, v20  }
0x178: {  	v9 =	vcvt.f32.s32 v9;
	v20 =	vcvt.s32.f32 v24;
	v24 =	vld [tilespmem:s8+$0x10]  }
0x179: {  	v25 =	vcvt.s32.f32 v25;
	v29 =	vld [tilespmem:s8+$0x20];
	v18 =	vmul.f32 v18, v2  }
0x17a: {  	v16 =	vcvt.f32.s32 v16;
	v26 =	vcvt.s32.f32 v26;
	v30 =	vld [tilespmem:s8+$0x30]  }
0x17b: {  	v15 =	vcvt.f32.s32 v15;
	v27 =	vcvt.s32.f32 v27;
	v31 =	vld [tilespmem:s8+$0x40];
	v18 =	vmin.f32 v18, $2.047000000e+03  }
0x17c: {  	v28 =	vcvt.s32.f32 v28;
	v32 =	vld [tilespmem:s8+$0x50];
	v18 =	vtrunc.f32 v18  }
0x17d: {  	v24 =	vcvt.s32.f32 v24;
	v33 =	vld [tilespmem:s8+$0x60];
	v18 =	vcvt.f32.s32 v18  }
0x17e: {  	v14 =	vcvt.f32.s32 v14;
	v34 =	vld [tilespmem:s6+$0xFFFFFF90];
	v29 =	vcvt.s32.f32 v29  }
0x17f: {  	v13 =	vcvt.f32.s32 v13;
	v35 =	vld [tilespmem:s6+$0xFFFFFFA0];
	v30 =	vcvt.s32.f32 v30  }
0x180: {  	v12 =	vcvt.f32.s32 v12;
	v36 =	vld [tilespmem:s6+$0xFFFFFFB0];
	v31 =	vcvt.s32.f32 v31  }
0x181: {  	v10 =	vcvt.f32.s32 v10;
	v37 =	vld [tilespmem:s6+$0xFFFFFFC0];
	v32 =	vcvt.s32.f32 v32  }
0x182: {  	v11 =	vcvt.f32.s32 v11;
	v38 =	vld [tilespmem:s6+$0xFFFFFFD0];
	v33 =	vcvt.s32.f32 v33  }
0x183: {  	v7 =	vcvt.f32.s32 v7;
	v5 =	vcvt.f32.s32 v5;
	v34 =	vsub.f32 v21, v34;
	[tilespmem:v18+s25+$0x0] =	vst.idx.add.f32.msk $0xffff, v1  }
0x184: {  	v6 =	vcvt.f32.s32 v6;
	v39 =	vcvt.f32.s32 v4;
	v18 =	vsub.f32 v22, v35;
	v35 =	vld [tilespmem:s6+$0xFFFFFFE0]  }
0x185: {  	v4 =	vand.u32 $0x7FFFFFFF, v34;
	v34 =	vsub.f32 v23, v36;
	v36 =	vld [tilespmem:s6+$0xFFFFFFF0]  }
0x186: {  	v4 =	vadd.f32 v21, v4;
	v18 =	vand.u32 $0x7FFFFFFF, v18;
	v21 =	vsub.f32 v20, v37;
	v37 =	vld [tilespmem:s6+$0x0]  }
0x187: {  	v18 =	vadd.f32 v22, v18;
	v22 =	vand.u32 $0x7FFFFFFF, v34;
	v34 =	vsub.f32 v25, v38;
	v38 =	vld [tilespmem:s6+$0x10]  }
0x188: {  	v4 =	vmul.f32 v4, v2;
	v22 =	vadd.f32 v23, v22;
	v21 =	vand.u32 $0x7FFFFFFF, v21;
	v23 =	vld [tilespmem:s6+$0x20]  }
0x189: {  	v20 =	vadd.f32 v20, v21;
	v21 =	vand.u32 $0x7FFFFFFF, v34;
	v34 =	vsub.f32 v26, v35;
	v35 =	vld [tilespmem:s6+$0x30]  }
0x18a: {  	v18 =	vmul.f32 v18, v2;
	v21 =	vadd.f32 v25, v21;
	v25 =	vsub.f32 v27, v36;
	v36 =	vld [tilespmem:s6+$0x40]  }
0x18b: {  	v22 =	vmul.f32 v22, v2;
	v34 =	vand.u32 $0x7FFFFFFF, v34;
	v37 =	vsub.f32 v28, v37;
	v40 =	vld [tilespmem:s6+$0x50]  }
0x18c: {  	v26 =	vadd.f32 v26, v34;
	v25 =	vand.u32 $0x7FFFFFFF, v25;
	v34 =	vsub.f32 v24, v38;
	v38 =	vld [tilespmem:s6+$0x60]  }
0x18d: {  	v41 =	vld [tilespmem:s6+$0xFFFFFF80];
	v25 =	vadd.f32 v27, v25;
	v27 =	vand.u32 $0x7FFFFFFF, v37;
	v23 =	vsub.f32 v29, v23  }
0x18e: {  	v27 =	vadd.f32 v28, v27;
	v28 =	vand.u32 $0x7FFFFFFF, v34;
	v34 =	vsub.f32 v30, v35;
	[tilespmem:v17+s25+$0x0] =	vst.idx.add.f32.msk $0xffff, v1  }
0x18f: {  	v17 =	vadd.f32 v24, v28;
	v23 =	vand.u32 $0x7FFFFFFF, v23;
	v24 =	vsub.f32 v31, v36;
	[tilespmem:v19+s25+$0x0] =	vst.idx.add.f32.msk $0xffff, v1  }
0x190: {  	v19 =	vadd.f32 v29, v23;
	v23 =	vand.u32 $0x7FFFFFFF, v34;
	v28 =	vsub.f32 v32, v40;
	[tilespmem:v8+s25+$0x0] =	vst.idx.add.f32.msk $0xffff, v1  }
0x191: {  	v23 =	vadd.f32 v30, v23;
	v8 =	vand.u32 $0x7FFFFFFF, v24;
	v24 =	vsub.f32 v33, v38;
	[tilespmem:v9+s25+$0x0] =	vst.idx.add.f32.msk $0xffff, v1  }
0x192: {  	v9 =	vsub.f32 v3, v41;
	v29 =	vadd.f32 v31, v8;
	v8 =	vand.u32 $0x7FFFFFFF, v28;
	[tilespmem:v16+s25+$0x0] =	vst.idx.add.f32.msk $0xffff, v1  }
0x193: {  	v16 =	vmul.f32 v20, v2;
	v20 =	vadd.f32 v32, v8;
	v8 =	vand.u32 $0x7FFFFFFF, v24;
	[tilespmem:v15+s25+$0x0] =	vst.idx.add.f32.msk $0xffff, v1  }
0x194: {  	v15 =	vmul.f32 v21, v2;
	v9 =	vand.u32 $0x7FFFFFFF, v9;
	v21 =	vadd.f32 v33, v8;
	[tilespmem:v14+s25+$0x0] =	vst.idx.add.f32.msk $0xffff, v1  }
0x195: {  	v24 =	vmul.f32 v25, v2;
	v14 =	vmul.f32 v26, v2;
	v8 =	vadd.f32 v3, v9  }
0x196: {  	v17 =	vmul.f32 v17, v2;
	v3 =	vmin.f32 v4, $2.047000000e+03;
	v4 =	vmul.f32 v27, v2;
	[tilespmem:v13+s25+$0x0] =	vst.idx.add.f32.msk $0xffff, v1  }
0x197: {  	v13 =	vmul.f32 v8, v2;
	v8 =	vmin.f32 v18, $2.047000000e+03;
	v18 =	vmul.f32 v19, v2;
	[tilespmem:v12+s25+$0x0] =	vst.idx.add.f32.msk $0xffff, v1  }
0x198: {  	v9 =	vmin.f32 v22, $2.047000000e+03;
	v22 =	vmul.f32 v29, v2;
	v19 =	vmul.f32 v23, v2;
	[tilespmem:v10+s25+$0x0] =	vst.idx.add.f32.msk $0xffff, v1  }
.Ltmp3:
0x199: {  	v20 =	vmul.f32 v20, v2;
	v21 =	vmul.f32 v21, v2;
	v23 =	vmin.f32 v13, $2.047000000e+03;
	[tilespmem:v11+s25+$0x0] =	vst.idx.add.f32.msk $0xffff, v1;
	(pc) =	sbr.rel @p1 .LBB2_9-.Ltmp3, $4  }
0x19a: {  	v16 =	vmin.f32 v16, $2.047000000e+03;
	v15 =	vmin.f32 v15, $2.047000000e+03;
	v14 =	vmin.f32 v14, $2.047000000e+03;
	[tilespmem:v7+s25+$0x0] =	vst.idx.add.f32.msk $0xffff, v1  }
0x19b: {  	v12 =	vmin.f32 v4, $2.047000000e+03;
	v10 =	vmin.f32 v17, $2.047000000e+03;
	v13 =	vmin.f32 v24, $2.047000000e+03;
	[tilespmem:v5+s25+$0x0] =	vst.idx.add.f32.msk $0xffff, v1  }
0x19c: {  	v11 =	vmin.f32 v18, $2.047000000e+03;
	v7 =	vmin.f32 v19, $2.047000000e+03;
	v5 =	vmin.f32 v22, $2.047000000e+03;
	[tilespmem:v6+s25+$0x0] =	vst.idx.add.f32.msk $0xffff, v1  }
0x19d: {  	s8 =	sadd.s32 $0x100, s8;
	v4 =	vmin.f32 v21, $2.047000000e+03;
	v17 =	vtrunc.f32 v23;
	v6 =	vmin.f32 v20, $2.047000000e+03;
	[tilespmem:v39+s25+$0x0] =	vst.idx.add.f32.msk $0xffff, v1  }
0x19e: {  	v3 =	vtrunc.f32 v3;
	v17 =	vcvt.f32.s32 v17  }
0x19f: {  	v8 =	vtrunc.f32 v8;
	v3 =	vcvt.f32.s32 v3  }
0x1a0: {  	v9 =	vtrunc.f32 v9;
	v8 =	vcvt.f32.s32 v8  }
0x1a1: {  	v16 =	vtrunc.f32 v16;
	v9 =	vcvt.f32.s32 v9  }
0x1a2: {  	v15 =	vtrunc.f32 v15;
	v16 =	vcvt.f32.s32 v16  }
0x1a3: {  	v14 =	vtrunc.f32 v14;
	v15 =	vcvt.f32.s32 v15  }
0x1a4: {  	v13 =	vtrunc.f32 v13;
	v14 =	vcvt.f32.s32 v14;
	[tilespmem:v17+s25+$0x0] =	vst.idx.add.f32.msk $0xffff, v1  }
0x1a5: {  	v7 =	vtrunc.f32 v7;
	v13 =	vcvt.f32.s32 v13;
	[tilespmem:v3+s25+$0x0] =	vst.idx.add.f32.msk $0xffff, v1  }
0x1a6: {  	v5 =	vtrunc.f32 v5;
	v7 =	vcvt.f32.s32 v7;
	[tilespmem:v8+s25+$0x0] =	vst.idx.add.f32.msk $0xffff, v1  }
0x1a7: {  	v6 =	vtrunc.f32 v6;
	v5 =	vcvt.f32.s32 v5;
	[tilespmem:v9+s25+$0x0] =	vst.idx.add.f32.msk $0xffff, v1  }
0x1a8: {  	v4 =	vtrunc.f32 v4;
	v6 =	vcvt.f32.s32 v6;
	[tilespmem:v16+s25+$0x0] =	vst.idx.add.f32.msk $0xffff, v1  }
0x1a9: {  	v12 =	vtrunc.f32 v12;
	v4 =	vcvt.f32.s32 v4;
	[tilespmem:v15+s25+$0x0] =	vst.idx.add.f32.msk $0xffff, v1  }
0x1aa: {  	v3 =	vtrunc.f32 v10;
	v10 =	vcvt.f32.s32 v12;
	[tilespmem:v14+s25+$0x0] =	vst.idx.add.f32.msk $0xffff, v1  }
0x1ab: {  	v8 =	vtrunc.f32 v11;
	[tilespmem:v13+s25+$0x0] =	vst.idx.add.f32.msk $0xffff, v1;
	v3 =	vcvt.f32.s32 v3  }
0x1ac: {  	[tilespmem:v7+s25+$0x0] =	vst.idx.add.f32.msk $0xffff, v1;
	v8 =	vcvt.f32.s32 v8  }
0x1ad: {  	[tilespmem:v5+s25+$0x0] =	vst.idx.add.f32.msk $0xffff, v1  }
0x1ae: {  	[tilespmem:v6+s25+$0x0] =	vst.idx.add.f32.msk $0xffff, v1  }
0x1af: {  	[tilespmem:v4+s25+$0x0] =	vst.idx.add.f32.msk $0xffff, v1  }
0x1b0: {  	[tilespmem:v10+s25+$0x0] =	vst.idx.add.f32.msk $0xffff, v1  }
0x1b1: {  	s6 =	sor.u32 @!p0 $0x4000, s22;
	s8 =	simm.s32 @!p0 $0x80;
	[tilespmem:v3+s25+$0x0] =	vst.idx.add.f32.msk $0xffff, v1  }
0x1b2: {  	s9 =	simm.s32 @!p0 $0x400;
	s10 =	simm.s32 @!p0 $0x4000;
	s7 =	sadd.s32 @!p0 s1, s6;
	[tilespmem:v8+s25+$0x0] =	vst.idx.add.f32.msk $0xffff, v1  }
0x1b3: {  	[tilespmem:s10], [sflag:$0x3] =	stream.strided.gather @!p0 [hbm4b:s7+s8], $0x2000, s9, s8, $0x38;
	[tilespmem:$0x19880] =	vst v63  }
0x1b4: {  	s6 =	sadd.s32 @!p0 s2, s6;
	s7 =	simm.s32 @!p0 $0xC000  }
0x1b5: {  	[tilespmem:s7], [sflag:$0x7] =	stream.strided.gather @!p0 [hbm4b:s6+s8], $0x2000, s9, s8, $0x38;
	[tilespmem:$0x19880] =	vst v63  }
0x1b6: {  	_ =	swait.ge [sflag:s17], $0x2000  }
0x1b7: {  	[sflag:s17] =	ssyncset.done $0x0  }
0x1b8: {  	[sflag:s17] =	ssyncadd.s32 $0xFFFFE000  }
0x1b9: {  	_ =	swait.ge [sflag:s21], $0x2000  }
0x1ba: {  	[sflag:s21] =	ssyncset.done $0x0  }
0x1bb: {  	s22 =	simm.s32 $0xE080;
	[sflag:s21] =	ssyncadd.s32 $0xFFFFE000  }
0x1bc: {  	v3 =	vld [tilespmem:s22+$0x70]  }
0x1bd: {  	s6 =	simm.s32 $0x6080;
	v4 =	vld [tilespmem:s22+$0xFFFFFF80]  }
0x1be: {  	v5 =	vld [tilespmem:s6+$0x70]  }
0x1bf: {  	v6 =	vld [tilespmem:s22+$0xFFFFFF90]  }
0x1c0: {  	v7 =	vld [tilespmem:s22+$0xFFFFFFA0]  }
0x1c1: {  	v8 =	vld [tilespmem:s22+$0xFFFFFFB0]  }
0x1c2: {  	v9 =	vld [tilespmem:s22+$0xFFFFFFC0]  }
0x1c3: {  	v10 =	vld [tilespmem:s22+$0xFFFFFFD0]  }
0x1c4: {  	v11 =	vld [tilespmem:s22+$0xFFFFFFE0]  }
0x1c5: {  	v12 =	vld [tilespmem:s22+$0xFFFFFFF0]  }
0x1c6: {  	v13 =	vld [tilespmem:s22+$0x0]  }
0x1c7: {  	v14 =	vld [tilespmem:s22+$0x10]  }
0x1c8: {  	v15 =	vld [tilespmem:s22+$0x20]  }
0x1c9: {  	v16 =	vld [tilespmem:s22+$0x30]  }
0x1ca: {  	v17 =	vld [tilespmem:s22+$0x40];
	v3 =	vcvt.s32.f32 v3  }
0x1cb: {  	v19 =	vld [tilespmem:s6+$0xFFFFFF90]  }
0x1cc: {  	v20 =	vld [tilespmem:s6+$0xFFFFFFA0];
	v5 =	vsub.f32 v3, v5  }
0x1cd: {  	v21 =	vld [tilespmem:s6+$0xFFFFFFB0];
	v4 =	vcvt.s32.f32 v4;
	v6 =	vcvt.s32.f32 v6  }
0x1ce: {  	v22 =	vld [tilespmem:s6+$0xFFFFFFC0];
	v7 =	vcvt.s32.f32 v7;
	v8 =	vcvt.s32.f32 v8;
	v5 =	vand.u32 $0x7FFFFFFF, v5  }
0x1cf: {  	v18 =	vld [tilespmem:s22+$0x60];
	v9 =	vcvt.s32.f32 v9;
	v10 =	vcvt.s32.f32 v10;
	v3 =	vadd.f32 v3, v5  }
0x1d0: {  	v24 =	vld [tilespmem:s6+$0xFFFFFFE0];
	v11 =	vcvt.s32.f32 v11;
	v12 =	vcvt.s32.f32 v12  }
0x1d1: {  	v52 =	vld [tilespmem:s6+$0x0];
	v13 =	vcvt.s32.f32 v13;
	v19 =	vsub.f32 v6, v19;
	v3 =	vmul.f32 v3, v2  }
0x1d2: {  	v56 =	vld [tilespmem:s6+$0x40];
	v17 =	vcvt.s32.f32 v17;
	v20 =	vsub.f32 v7, v20;
	v21 =	vsub.f32 v8, v21  }
0x1d3: {  	v58 =	vld [tilespmem:s6+$0x60];
	v51 =	vsub.f32 v9, v22;
	v19 =	vand.u32 $0x7FFFFFFF, v19;
	v3 =	vmin.f32 v3, $2.047000000e+03  }
0x1d4: {  	v54 =	vld [tilespmem:s6+$0x20];
	v6 =	vadd.f32 v6, v19;
	v19 =	vand.u32 $0x7FFFFFFF, v20;
	v3 =	vtrunc.f32 v3  }
0x1d5: {  	v7 =	vadd.f32 v7, v19;
	v19 =	vand.u32 $0x7FFFFFFF, v21;
	v23 =	vcvt.f32.s32 v3;
	v3 =	vld [tilespmem:s6+$0xFFFFFFD0]  }
0x1d6: {  	v53 =	vld [tilespmem:s6+$0x10];
	v18 =	vcvt.s32.f32 v18;
	v8 =	vadd.f32 v8, v19;
	v19 =	vand.u32 $0x7FFFFFFF, v51  }
0x1d7: {  	v14 =	vcvt.s32.f32 v14;
	v5 =	vld [tilespmem:s22+$0x50];
	v9 =	vadd.f32 v9, v19;
	v19 =	vsub.f32 v11, v24  }
0x1d8: {  	v25 =	vld [tilespmem:s6+$0xFFFFFFF0];
	v15 =	vcvt.s32.f32 v15;
	v59 =	vsub.f32 v17, v56;
	v60 =	vsub.f32 v18, v58  }
0x1d9: {  	v55 =	vld [tilespmem:s6+$0x30];
	v26 =	vmul.f32 v8, v2;
	v8 =	vand.u32 $0x7FFFFFFF, v19;
	v19 =	vsub.f32 v13, v52  }
0x1da: {  	v16 =	vcvt.s32.f32 v16;
	v20 =	vsub.f32 v15, v54;
	v3 =	vsub.f32 v10, v3  }
0x1db: {  	v57 =	vld [tilespmem:s6+$0x50];
	v8 =	vadd.f32 v11, v8;
	v11 =	vsub.f32 v14, v53;
	v19 =	vand.u32 $0x7FFFFFFF, v19  }
0x1dc: {  	v5 =	vcvt.s32.f32 v5;
	v13 =	vadd.f32 v13, v19;
	v3 =	vand.u32 $0x7FFFFFFF, v3  }
0x1dd: {  	v11 =	vand.u32 $0x7FFFFFFF, v11;
	v3 =	vadd.f32 v10, v3;
	v10 =	vsub.f32 v12, v25  }
0x1de: {  	v19 =	vsub.f32 v16, v55;
	v11 =	vadd.f32 v14, v11;
	v14 =	vand.u32 $0x7FFFFFFF, v20  }
0x1df: {  	v6 =	vmul.f32 v6, v2;
	v14 =	vadd.f32 v15, v14;
	v10 =	vand.u32 $0x7FFFFFFF, v10  }
0x1e0: {  	v15 =	vand.u32 $0x7FFFFFFF, v19;
	v19 =	vsub.f32 v5, v57;
	v10 =	vadd.f32 v12, v10;
	v12 =	vld [tilespmem:s6+$0xFFFFFF80]  }
0x1e1: {  	v7 =	vmul.f32 v7, v2;
	v15 =	vadd.f32 v16, v15;
	v16 =	vand.u32 $0x7FFFFFFF, v59  }
0x1e2: {  	v11 =	vmul.f32 v11, v2;
	v16 =	vadd.f32 v17, v16;
	v17 =	vand.u32 $0x7FFFFFFF, v19  }
0x1e3: {  	v19 =	vmul.f32 v9, v2;
	v9 =	vand.u32 $0x7FFFFFFF, v60;
	v5 =	vadd.f32 v5, v17  }
0x1e4: {  	v18 =	vadd.f32 v18, v9;
	v9 =	vmin.f32 v26, $2.047000000e+03;
	v61 =	vmul.f32 v15, v2  }
0x1e5: {  	v62 =	vmul.f32 v16, v2;
	v63 =	vmul.f32 v5, v2;
	v12 =	vsub.f32 v4, v12  }
0x1e6: {  	v16 =	vmin.f32 v19, $2.047000000e+03;
	v18 =	vmul.f32 v18, v2;
	v17 =	vmul.f32 v3, v2  }
0x1e7: {  	v3 =	vmin.f32 v6, $2.047000000e+03;
	v10 =	vmul.f32 v10, v2;
	v12 =	vand.u32 $0x7FFFFFFF, v12  }
0x1e8: {  	v6 =	vmul.f32 v13, v2;
	v5 =	vmin.f32 v62, $2.047000000e+03;
	v4 =	vadd.f32 v4, v12  }
0x1e9: {  	v15 =	vmin.f32 v17, $2.047000000e+03;
	v13 =	vmin.f32 v10, $2.047000000e+03;
	v12 =	vmul.f32 v8, v2  }
0x1ea: {  	v8 =	vmin.f32 v7, $2.047000000e+03;
	v7 =	vmul.f32 v14, v2;
	v4 =	vmul.f32 v4, v2  }
0x1eb: {  	v10 =	vmin.f32 v11, $2.047000000e+03;
	v14 =	vmin.f32 v12, $2.047000000e+03;
	v12 =	vmin.f32 v6, $2.047000000e+03  }
0x1ec: {  	v11 =	vmin.f32 v7, $2.047000000e+03;
	v7 =	vmin.f32 v61, $2.047000000e+03;
	v4 =	vmin.f32 v4, $2.047000000e+03  }
0x1ed: {  	s7 =	simm.s32 $0x0;
	s8 =	simm.s32 $0xE180;
	[tilespmem:v23+s25+$0x0] =	vst.idx.add.f32.msk $0xffff, v1;
	v6 =	vmin.f32 v63, $2.047000000e+03;
	v17 =	vtrunc.f32 v4;
	v4 =	vmin.f32 v18, $2.047000000e+03  }
.LBB2_11:
0x1ee: {  	v18 =	vld [tilespmem:s8+$0x70];
	s7 =	sadd.s32 $0x10, s7;
	v19 =	vtrunc.f32 v3;
	v8 =	vtrunc.f32 v8  }
0x1ef: {  	v9 =	vtrunc.f32 v9;
	v16 =	vtrunc.f32 v16;
	s6 =	sadd.s32 $0x100, s6;
	v3 =	vld [tilespmem:s8+$0xFFFFFF80];
	p0 =	slt.u32 s7, $0x1F0  }
0x1f0: {  	v15 =	vtrunc.f32 v15;
	v14 =	vtrunc.f32 v14;
	v20 =	vld [tilespmem:s6+$0x70]  }
0x1f1: {  	v13 =	vtrunc.f32 v13;
	v12 =	vtrunc.f32 v12;
	v21 =	vld [tilespmem:s8+$0xFFFFFF90]  }
0x1f2: {  	v10 =	vtrunc.f32 v10;
	v11 =	vtrunc.f32 v11;
	v22 =	vld [tilespmem:s8+$0xFFFFFFA0]  }
0x1f3: {  	v7 =	vtrunc.f32 v7;
	v23 =	vld [tilespmem:s8+$0xFFFFFFB0];
	v18 =	vcvt.s32.f32 v18  }
0x1f4: {  	v5 =	vtrunc.f32 v5;
	v3 =	vcvt.s32.f32 v3;
	v24 =	vld [tilespmem:s8+$0xFFFFFFC0]  }
0x1f5: {  	v6 =	vtrunc.f32 v6;
	v4 =	vtrunc.f32 v4;
	v25 =	vld [tilespmem:s8+$0xFFFFFFD0];
	v20 =	vsub.f32 v18, v20  }
0x1f6: {  	v17 =	vcvt.f32.s32 v17;
	v21 =	vcvt.s32.f32 v21;
	v26 =	vld [tilespmem:s8+$0xFFFFFFE0]  }
0x1f7: {  	v19 =	vcvt.f32.s32 v19;
	v22 =	vcvt.s32.f32 v22;
	v27 =	vld [tilespmem:s8+$0xFFFFFFF0];
	v20 =	vand.u32 $0x7FFFFFFF, v20  }
0x1f8: {  	v8 =	vcvt.f32.s32 v8;
	v23 =	vcvt.s32.f32 v23;
	v28 =	vld [tilespmem:s8+$0x0];
	v18 =	vadd.f32 v18, v20  }
0x1f9: {  	v9 =	vcvt.f32.s32 v9;
	v20 =	vcvt.s32.f32 v24;
	v24 =	vld [tilespmem:s8+$0x10]  }
0x1fa: {  	v25 =	vcvt.s32.f32 v25;
	v29 =	vld [tilespmem:s8+$0x20];
	v18 =	vmul.f32 v18, v2  }
0x1fb: {  	v16 =	vcvt.f32.s32 v16;
	v26 =	vcvt.s32.f32 v26;
	v30 =	vld [tilespmem:s8+$0x30]  }
0x1fc: {  	v15 =	vcvt.f32.s32 v15;
	v27 =	vcvt.s32.f32 v27;
	v31 =	vld [tilespmem:s8+$0x40];
	v18 =	vmin.f32 v18, $2.047000000e+03  }
0x1fd: {  	v28 =	vcvt.s32.f32 v28;
	v32 =	vld [tilespmem:s8+$0x50];
	v18 =	vtrunc.f32 v18  }
0x1fe: {  	v24 =	vcvt.s32.f32 v24;
	v33 =	vld [tilespmem:s8+$0x60];
	v18 =	vcvt.f32.s32 v18  }
0x1ff: {  	v14 =	vcvt.f32.s32 v14;
	v34 =	vld [tilespmem:s6+$0xFFFFFF90];
	v29 =	vcvt.s32.f32 v29  }
0x200: {  	v13 =	vcvt.f32.s32 v13;
	v35 =	vld [tilespmem:s6+$0xFFFFFFA0];
	v30 =	vcvt.s32.f32 v30  }
0x201: {  	v12 =	vcvt.f32.s32 v12;
	v36 =	vld [tilespmem:s6+$0xFFFFFFB0];
	v31 =	vcvt.s32.f32 v31  }
0x202: {  	v10 =	vcvt.f32.s32 v10;
	v37 =	vld [tilespmem:s6+$0xFFFFFFC0];
	v32 =	vcvt.s32.f32 v32  }
0x203: {  	v11 =	vcvt.f32.s32 v11;
	v38 =	vld [tilespmem:s6+$0xFFFFFFD0];
	v33 =	vcvt.s32.f32 v33  }
0x204: {  	v7 =	vcvt.f32.s32 v7;
	v5 =	vcvt.f32.s32 v5;
	v34 =	vsub.f32 v21, v34;
	[tilespmem:v18+s25+$0x0] =	vst.idx.add.f32.msk $0xffff, v1  }
0x205: {  	v6 =	vcvt.f32.s32 v6;
	v39 =	vcvt.f32.s32 v4;
	v18 =	vsub.f32 v22, v35;
	v35 =	vld [tilespmem:s6+$0xFFFFFFE0]  }
0x206: {  	v4 =	vand.u32 $0x7FFFFFFF, v34;
	v34 =	vsub.f32 v23, v36;
	v36 =	vld [tilespmem:s6+$0xFFFFFFF0]  }
0x207: {  	v4 =	vadd.f32 v21, v4;
	v18 =	vand.u32 $0x7FFFFFFF, v18;
	v21 =	vsub.f32 v20, v37;
	v37 =	vld [tilespmem:s6+$0x0]  }
0x208: {  	v18 =	vadd.f32 v22, v18;
	v22 =	vand.u32 $0x7FFFFFFF, v34;
	v34 =	vsub.f32 v25, v38;
	v38 =	vld [tilespmem:s6+$0x10]  }
0x209: {  	v4 =	vmul.f32 v4, v2;
	v22 =	vadd.f32 v23, v22;
	v21 =	vand.u32 $0x7FFFFFFF, v21;
	v23 =	vld [tilespmem:s6+$0x20]  }
0x20a: {  	v20 =	vadd.f32 v20, v21;
	v21 =	vand.u32 $0x7FFFFFFF, v34;
	v34 =	vsub.f32 v26, v35;
	v35 =	vld [tilespmem:s6+$0x30]  }
0x20b: {  	v18 =	vmul.f32 v18, v2;
	v21 =	vadd.f32 v25, v21;
	v25 =	vsub.f32 v27, v36;
	v36 =	vld [tilespmem:s6+$0x40]  }
0x20c: {  	v22 =	vmul.f32 v22, v2;
	v34 =	vand.u32 $0x7FFFFFFF, v34;
	v37 =	vsub.f32 v28, v37;
	v40 =	vld [tilespmem:s6+$0x50]  }
0x20d: {  	v26 =	vadd.f32 v26, v34;
	v25 =	vand.u32 $0x7FFFFFFF, v25;
	v34 =	vsub.f32 v24, v38;
	v38 =	vld [tilespmem:s6+$0x60]  }
0x20e: {  	v41 =	vld [tilespmem:s6+$0xFFFFFF80];
	v25 =	vadd.f32 v27, v25;
	v27 =	vand.u32 $0x7FFFFFFF, v37;
	v23 =	vsub.f32 v29, v23  }
0x20f: {  	v27 =	vadd.f32 v28, v27;
	v28 =	vand.u32 $0x7FFFFFFF, v34;
	v34 =	vsub.f32 v30, v35;
	[tilespmem:v17+s25+$0x0] =	vst.idx.add.f32.msk $0xffff, v1  }
0x210: {  	v17 =	vadd.f32 v24, v28;
	v23 =	vand.u32 $0x7FFFFFFF, v23;
	v24 =	vsub.f32 v31, v36;
	[tilespmem:v19+s25+$0x0] =	vst.idx.add.f32.msk $0xffff, v1  }
0x211: {  	v19 =	vadd.f32 v29, v23;
	v23 =	vand.u32 $0x7FFFFFFF, v34;
	v28 =	vsub.f32 v32, v40;
	[tilespmem:v8+s25+$0x0] =	vst.idx.add.f32.msk $0xffff, v1  }
0x212: {  	v23 =	vadd.f32 v30, v23;
	v8 =	vand.u32 $0x7FFFFFFF, v24;
	v24 =	vsub.f32 v33, v38;
	[tilespmem:v9+s25+$0x0] =	vst.idx.add.f32.msk $0xffff, v1  }
0x213: {  	v9 =	vsub.f32 v3, v41;
	v29 =	vadd.f32 v31, v8;
	v8 =	vand.u32 $0x7FFFFFFF, v28;
	[tilespmem:v16+s25+$0x0] =	vst.idx.add.f32.msk $0xffff, v1  }
0x214: {  	v16 =	vmul.f32 v20, v2;
	v20 =	vadd.f32 v32, v8;
	v8 =	vand.u32 $0x7FFFFFFF, v24;
	[tilespmem:v15+s25+$0x0] =	vst.idx.add.f32.msk $0xffff, v1  }
0x215: {  	v15 =	vmul.f32 v21, v2;
	v9 =	vand.u32 $0x7FFFFFFF, v9;
	v21 =	vadd.f32 v33, v8;
	[tilespmem:v14+s25+$0x0] =	vst.idx.add.f32.msk $0xffff, v1  }
0x216: {  	v24 =	vmul.f32 v25, v2;
	v14 =	vmul.f32 v26, v2;
	v8 =	vadd.f32 v3, v9  }
0x217: {  	v17 =	vmul.f32 v17, v2;
	v3 =	vmin.f32 v4, $2.047000000e+03;
	v4 =	vmul.f32 v27, v2;
	[tilespmem:v13+s25+$0x0] =	vst.idx.add.f32.msk $0xffff, v1  }
0x218: {  	v13 =	vmul.f32 v8, v2;
	v8 =	vmin.f32 v18, $2.047000000e+03;
	v18 =	vmul.f32 v19, v2;
	[tilespmem:v12+s25+$0x0] =	vst.idx.add.f32.msk $0xffff, v1  }
0x219: {  	v9 =	vmin.f32 v22, $2.047000000e+03;
	v22 =	vmul.f32 v29, v2;
	v19 =	vmul.f32 v23, v2;
	[tilespmem:v10+s25+$0x0] =	vst.idx.add.f32.msk $0xffff, v1  }
.Ltmp4:
0x21a: {  	v20 =	vmul.f32 v20, v2;
	v21 =	vmul.f32 v21, v2;
	v23 =	vmin.f32 v13, $2.047000000e+03;
	[tilespmem:v11+s25+$0x0] =	vst.idx.add.f32.msk $0xffff, v1;
	(pc) =	sbr.rel @p0 .LBB2_11-.Ltmp4, $4  }
0x21b: {  	v16 =	vmin.f32 v16, $2.047000000e+03;
	v15 =	vmin.f32 v15, $2.047000000e+03;
	v14 =	vmin.f32 v14, $2.047000000e+03;
	[tilespmem:v7+s25+$0x0] =	vst.idx.add.f32.msk $0xffff, v1  }
0x21c: {  	v12 =	vmin.f32 v4, $2.047000000e+03;
	v10 =	vmin.f32 v17, $2.047000000e+03;
	v13 =	vmin.f32 v24, $2.047000000e+03;
	[tilespmem:v5+s25+$0x0] =	vst.idx.add.f32.msk $0xffff, v1  }
0x21d: {  	v11 =	vmin.f32 v18, $2.047000000e+03;
	v7 =	vmin.f32 v19, $2.047000000e+03;
	v5 =	vmin.f32 v22, $2.047000000e+03;
	[tilespmem:v6+s25+$0x0] =	vst.idx.add.f32.msk $0xffff, v1  }
0x21e: {  	s8 =	sadd.s32 $0x100, s8;
	v4 =	vmin.f32 v21, $2.047000000e+03;
	v17 =	vtrunc.f32 v23;
	v6 =	vmin.f32 v20, $2.047000000e+03;
	[tilespmem:v39+s25+$0x0] =	vst.idx.add.f32.msk $0xffff, v1  }
0x21f: {  	v3 =	vtrunc.f32 v3;
	v17 =	vcvt.f32.s32 v17  }
0x220: {  	v8 =	vtrunc.f32 v8;
	v3 =	vcvt.f32.s32 v3  }
0x221: {  	v9 =	vtrunc.f32 v9;
	v8 =	vcvt.f32.s32 v8  }
0x222: {  	v16 =	vtrunc.f32 v16;
	v9 =	vcvt.f32.s32 v9  }
0x223: {  	v15 =	vtrunc.f32 v15;
	v16 =	vcvt.f32.s32 v16  }
0x224: {  	v14 =	vtrunc.f32 v14;
	v15 =	vcvt.f32.s32 v15  }
0x225: {  	v13 =	vtrunc.f32 v13;
	v14 =	vcvt.f32.s32 v14;
	[tilespmem:v17+s25+$0x0] =	vst.idx.add.f32.msk $0xffff, v1  }
0x226: {  	v12 =	vtrunc.f32 v12;
	v13 =	vcvt.f32.s32 v13;
	[tilespmem:v3+s25+$0x0] =	vst.idx.add.f32.msk $0xffff, v1  }
0x227: {  	v7 =	vtrunc.f32 v7;
	v62 =	vcvt.f32.s32 v12;
	[tilespmem:v8+s25+$0x0] =	vst.idx.add.f32.msk $0xffff, v1  }
0x228: {  	v5 =	vtrunc.f32 v5;
	v7 =	vcvt.f32.s32 v7;
	[tilespmem:v9+s25+$0x0] =	vst.idx.add.f32.msk $0xffff, v1  }
0x229: {  	v6 =	vtrunc.f32 v6;
	v5 =	vcvt.f32.s32 v5;
	[tilespmem:v16+s25+$0x0] =	vst.idx.add.f32.msk $0xffff, v1  }
0x22a: {  	v4 =	vtrunc.f32 v4;
	v6 =	vcvt.f32.s32 v6;
	[tilespmem:v15+s25+$0x0] =	vst.idx.add.f32.msk $0xffff, v1  }
0x22b: {  	v63 =	vtrunc.f32 v11;
	v4 =	vcvt.f32.s32 v4;
	[tilespmem:v14+s25+$0x0] =	vst.idx.add.f32.msk $0xffff, v1  }
0x22c: {  	v3 =	vtrunc.f32 v10;
	v8 =	vcvt.f32.s32 v63;
	[tilespmem:v13+s25+$0x0] =	vst.idx.add.f32.msk $0xffff, v1  }
0x22d: {  	s24 =	sadd.s32 $0x1, s24;
	[tilespmem:v62+s25+$0x0] =	vst.idx.add.f32.msk $0xffff, v1;
	v3 =	vcvt.f32.s32 v3  }
0x22e: {  	p0 =	sne.s32 s24, $0x13;
	[tilespmem:v7+s25+$0x0] =	vst.idx.add.f32.msk $0xffff, v1  }
.Ltmp5:
0x22f: {  	[tilespmem:v5+s25+$0x0] =	vst.idx.add.f32.msk $0xffff, v1;
	(pc) =	sbr.rel @p0 .LBB2_4-.Ltmp5, $4  }
0x230: {  	[tilespmem:v6+s25+$0x0] =	vst.idx.add.f32.msk $0xffff, v1  }
0x231: {  	[tilespmem:v4+s25+$0x0] =	vst.idx.add.f32.msk $0xffff, v1  }
0x232: {  	[tilespmem:v8+s25+$0x0] =	vst.idx.add.f32.msk $0xffff, v1  }
0x233: {  	[tilespmem:v3+s25+$0x0] =	vst.idx.add.f32.msk $0xffff, v1  }
0x234: {  	s23 =	sadd.s32 $0x1, s23  }
0x235: {  	p0 =	sne.s32 s23, s16  }
.Ltmp6:
0x236: {  	s6 =	simm.s32 $0x10000;
	(pc) =	sbr.rel @p0 .LBB2_1-.Ltmp6, $4  }
0x237: {  	[hbm4b:s14+s19] =	stream.strided.scatter [tilespmem:s6], [sflag:$0x9], $0x9800, s20, s19, $0x38;
	[tilespmem:$0x19880] =	vst v63  }
0x238: {  	_ =	swait.ge [sflag:s18], $0x9800  }
0x239: {  	[sflag:s18] =	ssyncset.done $0x0  }
0x23a: {  	[sflag:s18] =	ssyncadd.s32 $0xFFFF6800  }
0x23b: {  	_ =	sfence.sel $0x180000  }
0x23c: {  	[bflag:$0x0] =	sbarrier.arrive $0xFFFF  }
0x23d: {  	_ =	strace $0x90000047  }
0x23e: {  	s0 =	stileid.u32;
	[bflag:$0x2] =	sbarrier.arrive $0xFFFF  }
0x23f: {  	p0 =	sne.s32 s0, $0x0;
	s0 =	rddreg [dreg:$0x4]  }
0x240: {  	s0 =	sadd.s32 @!p0 $0x100000, s0  }
0x241: {  	[sflag:s0] =	ssyncadd.tile.s32 @!p0 $0x1;
	_ =	shalt  }
.Lfunc_end2:
_tile_overlayer_lowered:
.L_overlay_start_2:
0x242: {  	(tag) =	ssettag $0x2  }
0x243: {  	s0 =	rddreg [dreg:$0x0];
	s2 =	stileid.u32  }
0x244: {  	s1 =	rddreg [dreg:$0x1];
	p0 =	sne.s32 s2, $0x0  }
0x245: {  	s3 =	rddreg [dreg:$0x2];
	[bflag:$0x3] =	sbarrier.arrive $0xFFFF;
	s2 =	simm.s32 @!p0 $0x1C09  }
0x246: {  	[timem:s3], [sflag:s2] =	dma.local @!p0 [hbm:s0], s1  }
0x247: {  	s0 =	simm.s32 @!p0 $0x9  }
0x248: {  	_ =	swait.ge @!p0 [sflag:s0], s1  }
0x249: {  	s1 =	ssub.s32 @!p0 $0x0, s1;
	[sflag:s0] =	ssyncset.done @!p0 $0x0  }
0x24a: {  	[sflag:s0] =	ssyncadd.s32 @!p0 s1  }
0x24b: {  	[bflag:$0x3] =	sbarrier.arrive $0xFFFF  }
0x24c: {  	_ =	shalt  }

</sc_bundles>
